<compile_context>
chip_gen: v7x
topology: tpu7x:2x2x1
jax: 0.10.2.dev20260603
libtpu: 0.0.44.dev20260713+nightly
codegen_flags: <defaults>
</compile_context>

<pallas_src>
import functools

import jax
import jax.numpy as jnp
from jax import lax
from jax.experimental import pallas as pl
from jax.experimental.pallas import tpu as pltpu
from jax.experimental.pallas import tpu_sc as plsc

DP = 16
NC, NS, LN = 2, 16, 16


@functools.cache
def _make_sc(B, L, H):
    NW = NC * NS
    rows_per_w = B // NW
    G = 16
    CH = G * L
    n_chunks = rows_per_w // G
    assert B % NW == 0 and rows_per_w % (2 * G) == 0 and L % 8 == 0
    assert H == 2 * LN
    mesh = plsc.VectorSubcoreMesh(core_axis_name="c", subcore_axis_name="s")

    @functools.partial(
        pl.kernel,
        out_type=jax.ShapeDtypeStruct((B // 4, 4 * H), jnp.float32),
        mesh=mesh,
        compiler_params=pltpu.CompilerParams(use_tc_tiling_on_sc=False,
                                             needs_layout_passes=False),
        scratch_types=[
            pltpu.VMEM((CH,), jnp.int32),
            pltpu.VMEM((CH,), jnp.int32),
            pltpu.VMEM((CH, H), jnp.bfloat16),
            pltpu.VMEM((CH, H), jnp.bfloat16),
            pltpu.VMEM((rows_per_w // 4, 4 * H), jnp.float32),
            pltpu.SemaphoreType.DMA,
            pltpu.SemaphoreType.DMA,
        ],
    )
    def sc(text_hbm, emb_hbm, out_hbm, idx_a, idx_b, rows_a, rows_b,
           pooled_v, sem_a, sem_b):
        wid = lax.axis_index("s") * NC + lax.axis_index("c")
        base_row = wid * rows_per_w

        def fetch(c, idx_v, sem, rows_v):
            pltpu.sync_copy(text_hbm.at[pl.ds((base_row + c * G) * L, CH)],
                            idx_v)
            pltpu.async_copy(emb_hbm.at[idx_v], rows_v, sem)

        def drain_and_acc(c, idx_v, sem, rows_v):
            pltpu.make_async_copy(emb_hbm.at[idx_v], rows_v, sem).wait()

            def row_body(r, _):
                def acc_body(i, carry):
                    a0, a1 = carry
                    t = r * L + i * 8
                    for u in range(8):
                        ev, od = plsc.unpack(
                            rows_v[t + u], format=plsc.PackFormat.INTERLEAVED)
                        a0 = a0 + ev
                        a1 = a1 + od
                    return a0, a1

                z = jnp.zeros((LN,), jnp.float32)
                a0, a1 = lax.fori_loop(0, L // 8, acc_body, (z, z))
                g = c * G + r
                q = g // 4
                o = (g - 4 * q) * (2 * LN)
                pooled_v[q, pl.ds(o, LN)] = a0
                pooled_v[q, pl.ds(o + LN, LN)] = a1
                return 0

            lax.fori_loop(0, G, row_body, 0)

        fetch(0, idx_a, sem_a, rows_a)

        def pair_body(c2, _):
            c = 2 * c2
            fetch(c + 1, idx_b, sem_b, rows_b)
            drain_and_acc(c, idx_a, sem_a, rows_a)

            @pl.when(c + 2 < n_chunks)
            def _():
                fetch(c + 2, idx_a, sem_a, rows_a)

            drain_and_acc(c + 1, idx_b, sem_b, rows_b)
            return 0

        lax.fori_loop(0, n_chunks // 2, pair_body, 0)
        pltpu.sync_copy(pooled_v,
                        out_hbm.at[pl.ds(base_row // 4, rows_per_w // 4)])

    return sc


def _mlp_body(x_ref, w_ref, b_ref, o_ref):
    o_ref[...] = jnp.dot(x_ref[...], w_ref[...],
                         preferred_element_type=jnp.float32) + b_ref[...]


def _mlp(pooled, wcp, bcp):
    R, H4 = pooled.shape
    H = H4 // 4
    blk = 4096
    assert R % blk == 0
    wbig = jnp.einsum('ij,kl->ikjl', jnp.eye(4, dtype=jnp.float32),
                      wcp).reshape(4 * H, 4 * DP)
    bbig = jnp.tile(bcp, (1, 4))
    return pl.pallas_call(
        _mlp_body,
        grid=(R // blk,),
        in_specs=[pl.BlockSpec((blk, 4 * H), lambda i: (i, 0)),
                  pl.BlockSpec((4 * H, 4 * DP), lambda i: (0, 0)),
                  pl.BlockSpec((1, 4 * DP), lambda i: (0, 0))],
        out_specs=pl.BlockSpec((blk, 4 * DP), lambda i: (i, 0)),
        out_shape=jax.ShapeDtypeStruct((R, 4 * DP), jnp.float32),
    )(pooled, wbig, bbig)


def kernel(text, text_lengths, emb, W1, b1, W2, b2):
    B, L = text.shape
    V, H = emb.shape
    ncls = W2.shape[1]
    wc = (W1 @ W2) * (1.0 / L)
    perm = jnp.arange(H).reshape(H // 2, 2).T.reshape(H)
    wcp = jnp.zeros((H, DP), jnp.float32).at[:, :ncls].set(wc[perm])
    bcp = jnp.zeros((1, DP), jnp.float32).at[0, :ncls].set(b1 @ W2 + b2)
    embh = emb.astype(jnp.bfloat16)
    text_flat = text.reshape(-1).astype(jnp.int32)
    pooled = _make_sc(B, L, H)(text_flat, embh)
    return _mlp(pooled, wcp, bcp).reshape(B, DP)[:, :ncls]

# --- scband reference (transcript-rebuilt; emitter-appended) ---
"""Pipeline reference for scband-fast-text-1726576855335 (READ-ONLY COPY).

The authoritative reference and input builder live on the scoring server;
editing this copy changes nothing except your own understanding.
"""

import jax, jax.numpy as jnp
import numpy as np

B = 16384
L = 200
VOCAB = 1000000
HID = 32
NCLS = 10


def setup_inputs(seed: int = 0) -> dict:
    key = jax.random.key(seed)
    k1, k2, k3, k4, k5 = jax.random.split(key, 5)
    text = jax.random.randint(k1, (B, L), 0, VOCAB, dtype=jnp.int64 if jax.config.jax_enable_x64 else jnp.int32)
    text_lengths = jax.random.randint(k2, (B,), 1, L, dtype=jnp.int64 if jax.config.jax_enable_x64 else jnp.int32)
    emb = jax.random.normal(k3, (VOCAB, HID), dtype=jnp.float32)
    emb = emb.at[0].set(0.0)  # padding_idx=0 row is zero in nn.Embedding
    W1 = jax.random.normal(k4, (HID, HID), dtype=jnp.float32) * (1.0 / np.sqrt(HID))
    b1 = jnp.zeros((HID,), dtype=jnp.float32)
    W2 = jax.random.normal(k5, (HID, NCLS), dtype=jnp.float32) * (1.0 / np.sqrt(HID))
    b2 = jnp.zeros((NCLS,), dtype=jnp.float32)
    return {"text": text, "text_lengths": text_lengths, "emb": emb, "W1": W1, "b1": b1, "W2": W2, "b2": b2}


def reference(text, text_lengths, emb, W1, b1, W2, b2):
    # fastText.forward: x = (text, text_lengths); text_lengths is unused in the math.
    table = emb.at[0].set(0.0)  # enforce padding_idx=0 semantics
    embedded = jnp.take(table, text, axis=0)          # [B, L, HID] gather
    pooled = embedded.mean(axis=1)                     # [B, HID]
    h = pooled @ W1 + b1                               # fc1 (no activation in original)
    z = h @ W2 + b2                                    # fc
    return z

if __name__ == "__main__":
    import jax
    _d = setup_inputs()
    print(jax.jit(kernel)(*tuple(_d.values())))

</pallas_src>

<mosaic_0001>
#map = affine_map<(d0, d1) -> (0)>
#map1 = affine_map<(d0, d1) -> (0, 0)>
module attributes {stable_mosaic.version = 14 : i64} {
  func.func @sc(%arg0: i32, %arg1: i32, %arg2: memref<3276800xi32, #tpu.memory_space<hbm>>, %arg3: memref<1000000x32xbf16, #tpu.memory_space<hbm>>, %arg4: memref<4096x128xf32, #tpu.memory_space<hbm>>, %arg5: memref<3200xi32, #tpu.memory_space<vmem>>, %arg6: memref<3200xi32, #tpu.memory_space<vmem>>, %arg7: memref<3200x32xbf16, #tpu.memory_space<vmem>>, %arg8: memref<3200x32xbf16, #tpu.memory_space<vmem>>, %arg9: memref<128x128xf32, #tpu.memory_space<vmem>>, %arg10: memref<!tpu.dma_semaphore, #tpu.memory_space<semaphore_mem>>, %arg11: memref<!tpu.dma_semaphore, #tpu.memory_space<semaphore_mem>>) attributes {dimension_semantics = [#tpu.dimension_semantics<core_parallel>, #tpu.dimension_semantics<subcore_parallel>], iteration_bounds = array<i64: 2, 16>, scalar_prefetch = 0 : i64, scratch_operands = 7 : i64, tpu.core_type = #tpu.core_type<sc_vector_subcore>, window_params = [{transform_indices = #map}, {transform_indices = #map1}, {transform_indices = #map1}]} {
    %mul3A = arith.constant 2 : i32
    %mul3A_0 = arith.muli %arg1, %mul3A : i32
    %add3A = arith.addi %mul3A_0, %arg0 : i32
    %mul3A_1 = arith.constant 512 : i32
    %mul3A_2 = arith.muli %add3A, %mul3A_1 : i32
    %add3A_3 = arith.constant 0 : i32
    %add3A_4 = arith.addi %mul3A_2, %add3A_3 : i32
    %mul3A_5 = arith.constant 200 : i32
    %mul3A_6 = arith.muli %add3A_4, %mul3A_5 : i32
    "tpu.region"() ({
      %run_scoped3A = tpu.sem_alloc : memref<!tpu.dma_semaphore, #tpu.memory_space<semaphore_mem>>
      %dma_start3A_31 = tpu.memref_slice %arg2[%mul3A_6] : memref<3276800xi32, #tpu.memory_space<hbm>> -> memref<3200xi32, #tpu.memory_space<hbm>>
      %dma_start3A_32 = tpu.memref_slice %arg2[%mul3A_6] : memref<3276800xi32, #tpu.memory_space<hbm>> -> memref<3200xi32, #tpu.memory_space<hbm>>
      tpu.enqueue_dma source(%dma_start3A_32 : memref<3200xi32, #tpu.memory_space<hbm>>) target(%arg5 : memref<3200xi32, #tpu.memory_space<vmem>>) target_semaphore(%run_scoped3A : memref<!tpu.dma_semaphore, #tpu.memory_space<semaphore_mem>>)
      %dma_wait3A = tpu.memref_slice %arg2[%mul3A_6] : memref<3276800xi32, #tpu.memory_space<hbm>> -> memref<3200xi32, #tpu.memory_space<hbm>>
      %dma_wait3A_33 = tpu.memref_slice %arg2[%mul3A_6] : memref<3276800xi32, #tpu.memory_space<hbm>> -> memref<3200xi32, #tpu.memory_space<hbm>>
      tpu.wait_dma2 semaphore(%run_scoped3A : memref<!tpu.dma_semaphore, #tpu.memory_space<semaphore_mem>>) src(%dma_wait3A_33 : memref<3200xi32, #tpu.memory_space<hbm>>) dst(%arg5 : memref<3200xi32, #tpu.memory_space<vmem>>)
      tpu.yield
    }) : () -> ()
    %dma_start3A = arith.constant 0 : i32
    %dma_start3A_7 = arith.constant 0 : i32
    %dma_start3A_8 = tpu.memref_slice %arg3[%dma_start3A, %dma_start3A_7] : memref<1000000x32xbf16, #tpu.memory_space<hbm>> -> memref<1000000x32xbf16, #tpu.memory_space<hbm>>
    tpu.enqueue_indirect_dma source(%dma_start3A_8 : memref<1000000x32xbf16, #tpu.memory_space<hbm>>) target(%arg7 : memref<3200x32xbf16, #tpu.memory_space<vmem>>) offsets(%arg5 : memref<3200xi32, #tpu.memory_space<vmem>>) semaphore(%arg10 : memref<!tpu.dma_semaphore, #tpu.memory_space<semaphore_mem>>)
    %scan3A = arith.constant 0 : i32
    %scan3A_9 = arith.constant 0 : i32
    %scan3A_10 = arith.constant 16 : i32
    %scan3A_11 = arith.addi %scan3A_9, %scan3A_10 : i32
    %scan3A_12 = arith.constant 1 : i32
    %scan3A_13 = scf.for %scan3A_31 = %scan3A_9 to %scan3A_11 step %scan3A_12 iter_args(%scan3A_32 = %scan3A) -> (i32)  : i32 {
      %mul3A_33 = arith.constant 2 : i32
      %mul3A_34 = arith.muli %mul3A_33, %scan3A_31 : i32
      %add3A_35 = arith.constant 1 : i32
      %add3A_36 = arith.addi %mul3A_34, %add3A_35 : i32
      %mul3A_37 = arith.constant 16 : i32
      %mul3A_38 = arith.muli %add3A_36, %mul3A_37 : i32
      %add3A_39 = arith.addi %mul3A_2, %mul3A_38 : i32
      %mul3A_40 = arith.constant 200 : i32
      %mul3A_41 = arith.muli %add3A_39, %mul3A_40 : i32
      "tpu.region"() ({
        %run_scoped3A = tpu.sem_alloc : memref<!tpu.dma_semaphore, #tpu.memory_space<semaphore_mem>>
        %dma_start3A_71 = tpu.memref_slice %arg2[%mul3A_41] : memref<3276800xi32, #tpu.memory_space<hbm>> -> memref<3200xi32, #tpu.memory_space<hbm>>
        %dma_start3A_72 = tpu.memref_slice %arg2[%mul3A_41] : memref<3276800xi32, #tpu.memory_space<hbm>> -> memref<3200xi32, #tpu.memory_space<hbm>>
        tpu.enqueue_dma source(%dma_start3A_72 : memref<3200xi32, #tpu.memory_space<hbm>>) target(%arg6 : memref<3200xi32, #tpu.memory_space<vmem>>) target_semaphore(%run_scoped3A : memref<!tpu.dma_semaphore, #tpu.memory_space<semaphore_mem>>)
        %dma_wait3A_73 = tpu.memref_slice %arg2[%mul3A_41] : memref<3276800xi32, #tpu.memory_space<hbm>> -> memref<3200xi32, #tpu.memory_space<hbm>>
        %dma_wait3A_74 = tpu.memref_slice %arg2[%mul3A_41] : memref<3276800xi32, #tpu.memory_space<hbm>> -> memref<3200xi32, #tpu.memory_space<hbm>>
        tpu.wait_dma2 semaphore(%run_scoped3A : memref<!tpu.dma_semaphore, #tpu.memory_space<semaphore_mem>>) src(%dma_wait3A_74 : memref<3200xi32, #tpu.memory_space<hbm>>) dst(%arg6 : memref<3200xi32, #tpu.memory_space<vmem>>)
        tpu.yield
      }) : () -> ()
      %dma_start3A_42 = arith.constant 0 : i32
      %dma_start3A_43 = arith.constant 0 : i32
      %dma_start3A_44 = tpu.memref_slice %arg3[%dma_start3A_42, %dma_start3A_43] : memref<1000000x32xbf16, #tpu.memory_space<hbm>> -> memref<1000000x32xbf16, #tpu.memory_space<hbm>>
      tpu.enqueue_indirect_dma source(%dma_start3A_44 : memref<1000000x32xbf16, #tpu.memory_space<hbm>>) target(%arg8 : memref<3200x32xbf16, #tpu.memory_space<vmem>>) offsets(%arg6 : memref<3200xi32, #tpu.memory_space<vmem>>) semaphore(%arg11 : memref<!tpu.dma_semaphore, #tpu.memory_space<semaphore_mem>>)
      %dma_wait3A = arith.constant 0 : i32
      %dma_wait3A_45 = arith.constant 0 : i32
      %dma_wait3A_46 = tpu.memref_slice %arg3[%dma_wait3A, %dma_wait3A_45] : memref<1000000x32xbf16, #tpu.memory_space<hbm>> -> memref<1000000x32xbf16, #tpu.memory_space<hbm>>
      tpu.wait_indirect_dma semaphore(%arg10 : memref<!tpu.dma_semaphore, #tpu.memory_space<semaphore_mem>>) src(%dma_wait3A_46 : memref<1000000x32xbf16, #tpu.memory_space<hbm>>) dst(%arg7 : memref<3200x32xbf16, #tpu.memory_space<vmem>>)
      %scan3A_47 = arith.constant 0 : i32
      %scan3A_48 = arith.constant 0 : i32
      %scan3A_49 = arith.constant 16 : i32
      %scan3A_50 = arith.addi %scan3A_48, %scan3A_49 : i32
      %scan3A_51 = arith.constant 1 : i32
      %scan3A_52 = scf.for %scan3A_71 = %scan3A_48 to %scan3A_50 step %scan3A_51 iter_args(%scan3A_72 = %scan3A_47) -> (i32)  : i32 {
        %broadcast_in_dim3A = arith.constant 0.000000e+00 : f32
        %broadcast_in_dim3A_73 = vector.broadcast %broadcast_in_dim3A : f32 to vector<16xf32>
        %scan3A_74 = arith.constant 0 : i32
        %scan3A_75 = arith.constant 25 : i32
        %scan3A_76 = arith.addi %scan3A_74, %scan3A_75 : i32
        %scan3A_77 = arith.constant 1 : i32
        %scan3A_78:2 = scf.for %scan3A_120 = %scan3A_74 to %scan3A_76 step %scan3A_77 iter_args(%scan3A_121 = %broadcast_in_dim3A_73, %scan3A_122 = %broadcast_in_dim3A_73) -> (vector<16xf32>, vector<16xf32>)  : i32 {
          %mul3A_123 = arith.constant 200 : i32
          %mul3A_124 = arith.muli %scan3A_71, %mul3A_123 : i32
          %mul3A_125 = arith.constant 8 : i32
          %mul3A_126 = arith.muli %scan3A_120, %mul3A_125 : i32
          %add3A_127 = arith.addi %mul3A_124, %mul3A_126 : i32
          %add3A_128 = arith.constant 0 : i32
          %add3A_129 = arith.addi %add3A_127, %add3A_128 : i32
          %get3A = arith.index_cast %add3A_129 : i32 to index
          %get3A_130 = arith.constant 0 : index
          %get3A_131 = tpu.vector_load %arg7[%get3A, %get3A_130] {strides = array<i32>} : memref<3200x32xbf16, #tpu.memory_space<vmem>>, vector<32xbf16>,
          %unpack3A = tpu.unpack_subelements %get3A_131, 0 {pack_format = #tpu.pack_format<interleaved>} : vector<32xbf16> -> vector<16xf32>
          %unpack3A_132 = tpu.unpack_subelements %get3A_131, 1 {pack_format = #tpu.pack_format<interleaved>} : vector<32xbf16> -> vector<16xf32>
          %add3A_133 = arith.addf %scan3A_121, %unpack3A : vector<16xf32>
          %add3A_134 = arith.addf %scan3A_122, %unpack3A_132 : vector<16xf32>
          %add3A_135 = arith.constant 1 : i32
          %add3A_136 = arith.addi %add3A_127, %add3A_135 : i32
          %get3A_137 = arith.index_cast %add3A_136 : i32 to index
          %get3A_138 = arith.constant 0 : index
          %get3A_139 = tpu.vector_load %arg7[%get3A_137, %get3A_138] {strides = array<i32>} : memref<3200x32xbf16, #tpu.memory_space<vmem>>, vector<32xbf16>,
          %unpack3A_140 = tpu.unpack_subelements %get3A_139, 0 {pack_format = #tpu.pack_format<interleaved>} : vector<32xbf16> -> vector<16xf32>
          %unpack3A_141 = tpu.unpack_subelements %get3A_139, 1 {pack_format = #tpu.pack_format<interleaved>} : vector<32xbf16> -> vector<16xf32>
          %add3A_142 = arith.addf %add3A_133, %unpack3A_140 : vector<16xf32>
          %add3A_143 = arith.addf %add3A_134, %unpack3A_141 : vector<16xf32>
          %add3A_144 = arith.constant 2 : i32
          %add3A_145 = arith.addi %add3A_127, %add3A_144 : i32
          %get3A_146 = arith.index_cast %add3A_145 : i32 to index
          %get3A_147 = arith.constant 0 : index
          %get3A_148 = tpu.vector_load %arg7[%get3A_146, %get3A_147] {strides = array<i32>} : memref<3200x32xbf16, #tpu.memory_space<vmem>>, vector<32xbf16>,
          %unpack3A_149 = tpu.unpack_subelements %get3A_148, 0 {pack_format = #tpu.pack_format<interleaved>} : vector<32xbf16> -> vector<16xf32>
          %unpack3A_150 = tpu.unpack_subelements %get3A_148, 1 {pack_format = #tpu.pack_format<interleaved>} : vector<32xbf16> -> vector<16xf32>
          %add3A_151 = arith.addf %add3A_142, %unpack3A_149 : vector<16xf32>
          %add3A_152 = arith.addf %add3A_143, %unpack3A_150 : vector<16xf32>
          %add3A_153 = arith.constant 3 : i32
          %add3A_154 = arith.addi %add3A_127, %add3A_153 : i32
          %get3A_155 = arith.index_cast %add3A_154 : i32 to index
          %get3A_156 = arith.constant 0 : index
          %get3A_157 = tpu.vector_load %arg7[%get3A_155, %get3A_156] {strides = array<i32>} : memref<3200x32xbf16, #tpu.memory_space<vmem>>, vector<32xbf16>,
          %unpack3A_158 = tpu.unpack_subelements %get3A_157, 0 {pack_format = #tpu.pack_format<interleaved>} : vector<32xbf16> -> vector<16xf32>
          %unpack3A_159 = tpu.unpack_subelements %get3A_157, 1 {pack_format = #tpu.pack_format<interleaved>} : vector<32xbf16> -> vector<16xf32>
          %add3A_160 = arith.addf %add3A_151, %unpack3A_158 : vector<16xf32>
          %add3A_161 = arith.addf %add3A_152, %unpack3A_159 : vector<16xf32>
          %add3A_162 = arith.constant 4 : i32
          %add3A_163 = arith.addi %add3A_127, %add3A_162 : i32
          %get3A_164 = arith.index_cast %add3A_163 : i32 to index
          %get3A_165 = arith.constant 0 : index
          %get3A_166 = tpu.vector_load %arg7[%get3A_164, %get3A_165] {strides = array<i32>} : memref<3200x32xbf16, #tpu.memory_space<vmem>>, vector<32xbf16>,
          %unpack3A_167 = tpu.unpack_subelements %get3A_166, 0 {pack_format = #tpu.pack_format<interleaved>} : vector<32xbf16> -> vector<16xf32>
          %unpack3A_168 = tpu.unpack_subelements %get3A_166, 1 {pack_format = #tpu.pack_format<interleaved>} : vector<32xbf16> -> vector<16xf32>
          %add3A_169 = arith.addf %add3A_160, %unpack3A_167 : vector<16xf32>
          %add3A_170 = arith.addf %add3A_161, %unpack3A_168 : vector<16xf32>
          %add3A_171 = arith.constant 5 : i32
          %add3A_172 = arith.addi %add3A_127, %add3A_171 : i32
          %get3A_173 = arith.index_cast %add3A_172 : i32 to index
          %get3A_174 = arith.constant 0 : index
          %get3A_175 = tpu.vector_load %arg7[%get3A_173, %get3A_174] {strides = array<i32>} : memref<3200x32xbf16, #tpu.memory_space<vmem>>, vector<32xbf16>,
          %unpack3A_176 = tpu.unpack_subelements %get3A_175, 0 {pack_format = #tpu.pack_format<interleaved>} : vector<32xbf16> -> vector<16xf32>
          %unpack3A_177 = tpu.unpack_subelements %get3A_175, 1 {pack_format = #tpu.pack_format<interleaved>} : vector<32xbf16> -> vector<16xf32>
          %add3A_178 = arith.addf %add3A_169, %unpack3A_176 : vector<16xf32>
          %add3A_179 = arith.addf %add3A_170, %unpack3A_177 : vector<16xf32>
          %add3A_180 = arith.constant 6 : i32
          %add3A_181 = arith.addi %add3A_127, %add3A_180 : i32
          %get3A_182 = arith.index_cast %add3A_181 : i32 to index
          %get3A_183 = arith.constant 0 : index
          %get3A_184 = tpu.vector_load %arg7[%get3A_182, %get3A_183] {strides = array<i32>} : memref<3200x32xbf16, #tpu.memory_space<vmem>>, vector<32xbf16>,
          %unpack3A_185 = tpu.unpack_subelements %get3A_184, 0 {pack_format = #tpu.pack_format<interleaved>} : vector<32xbf16> -> vector<16xf32>
          %unpack3A_186 = tpu.unpack_subelements %get3A_184, 1 {pack_format = #tpu.pack_format<interleaved>} : vector<32xbf16> -> vector<16xf32>
          %add3A_187 = arith.addf %add3A_178, %unpack3A_185 : vector<16xf32>
          %add3A_188 = arith.addf %add3A_179, %unpack3A_186 : vector<16xf32>
          %add3A_189 = arith.constant 7 : i32
          %add3A_190 = arith.addi %add3A_127, %add3A_189 : i32
          %get3A_191 = arith.index_cast %add3A_190 : i32 to index
          %get3A_192 = arith.constant 0 : index
          %get3A_193 = tpu.vector_load %arg7[%get3A_191, %get3A_192] {strides = array<i32>} : memref<3200x32xbf16, #tpu.memory_space<vmem>>, vector<32xbf16>,
          %unpack3A_194 = tpu.unpack_subelements %get3A_193, 0 {pack_format = #tpu.pack_format<interleaved>} : vector<32xbf16> -> vector<16xf32>
          %unpack3A_195 = tpu.unpack_subelements %get3A_193, 1 {pack_format = #tpu.pack_format<interleaved>} : vector<32xbf16> -> vector<16xf32>
          %add3A_196 = arith.addf %add3A_187, %unpack3A_194 : vector<16xf32>
          %add3A_197 = arith.addf %add3A_188, %unpack3A_195 : vector<16xf32>
          scf.yield %add3A_196, %add3A_197 : vector<16xf32>, vector<16xf32>
        }
        %scan3A_79 = arith.constant 25 : i32
        %mul3A_80 = arith.constant 16 : i32
        %mul3A_81 = arith.muli %mul3A_34, %mul3A_80 : i32
        %add3A_82 = arith.addi %mul3A_81, %scan3A_71 : i32
        %jit3A_83 = arith.constant 4 : i32
        %div3A_84 = arith.divsi %add3A_82, %jit3A_83 : i32
        %sign3A_85 = arith.constant 0 : i32
        %sign3A_86 = arith.cmpi sgt, %add3A_82, %sign3A_85 : i32
        %sign3A_87 = arith.extui %sign3A_86 : i1 to i32
        %sign3A_88 = arith.constant 0 : i32
        %sign3A_89 = arith.cmpi slt, %add3A_82, %sign3A_88 : i32
        %sign3A_90 = arith.extui %sign3A_89 : i1 to i32
        %sign3A_91 = arith.subi %sign3A_87, %sign3A_90 : i32
        %sign3A_92 = arith.constant 0 : i32
        %sign3A_93 = arith.cmpi sgt, %jit3A_83, %sign3A_92 : i32
        %sign3A_94 = arith.extui %sign3A_93 : i1 to i32
        %sign3A_95 = arith.constant 0 : i32
        %sign3A_96 = arith.cmpi slt, %jit3A_83, %sign3A_95 : i32
        %sign3A_97 = arith.extui %sign3A_96 : i1 to i32
        %sign3A_98 = arith.subi %sign3A_94, %sign3A_97 : i32
        %ne3A_99 = arith.cmpi ne, %sign3A_91, %sign3A_98 : i32
        %rem3A_100 = arith.remsi %add3A_82, %jit3A_83 : i32
        %ne3A_101 = arith.constant 0 : i32
        %ne3A_102 = arith.cmpi ne, %rem3A_100, %ne3A_101 : i32
        %and3A_103 = arith.andi %ne3A_99, %ne3A_102 : i1
        %sub3A_104 = arith.constant 1 : i32
        %sub3A_105 = arith.subi %div3A_84, %sub3A_104 : i32
        %select_n3A_106 = arith.select %and3A_103, %sub3A_105, %div3A_84 : i32
        %mul3A_107 = arith.constant 4 : i32
        %mul3A_108 = arith.muli %mul3A_107, %select_n3A_106 : i32
        %sub3A_109 = arith.subi %add3A_82, %mul3A_108 : i32
        %mul3A_110 = arith.constant 32 : i32
        %mul3A_111 = arith.muli %sub3A_109, %mul3A_110 : i32
        %swap3A = arith.index_cast %select_n3A_106 : i32 to index
        %swap3A_112 = arith.index_cast %mul3A_111 : i32 to index
        %swap3A_113 = tpu.vector_load %arg9[%swap3A, %swap3A_112] {strides = array<i32>} : memref<128x128xf32, #tpu.memory_space<vmem>>, vector<16xf32>,
        tpu.vector_store %arg9[%swap3A, %swap3A_112], %scan3A_78#0 {strides = array<i32>} : memref<128x128xf32, #tpu.memory_space<vmem>>, vector<16xf32>,
        %add3A_114 = arith.constant 16 : i32
        %add3A_115 = arith.addi %mul3A_111, %add3A_114 : i32
        %swap3A_116 = arith.index_cast %select_n3A_106 : i32 to index
        %swap3A_117 = arith.index_cast %add3A_115 : i32 to index
        %swap3A_118 = tpu.vector_load %arg9[%swap3A_116, %swap3A_117] {strides = array<i32>} : memref<128x128xf32, #tpu.memory_space<vmem>>, vector<16xf32>,
        tpu.vector_store %arg9[%swap3A_116, %swap3A_117], %scan3A_78#1 {strides = array<i32>} : memref<128x128xf32, #tpu.memory_space<vmem>>, vector<16xf32>,
        %scan3A_119 = arith.constant 0 : i32
        scf.yield %scan3A_119 : i32
      }
      %scan3A_53 = arith.constant 16 : i32
      %add3A_54 = arith.constant 2 : i32
      %add3A_55 = arith.addi %mul3A_34, %add3A_54 : i32
      %lt3A = arith.constant 32 : i32
      %lt3A_56 = arith.cmpi slt, %add3A_55, %lt3A : i32
      %convert_element_type3A = arith.extui %lt3A_56 : i1 to i32
      %cond3A = arith.constant 0 : i32
      %cond3A_57 = arith.cmpi ne, %convert_element_type3A, %cond3A : i32
      scf.if %cond3A_57 {
        %add3A_71 = arith.constant 2 : i32
        %add3A_72 = arith.addi %mul3A_34, %add3A_71 : i32
        %mul3A_73 = arith.constant 16 : i32
        %mul3A_74 = arith.muli %add3A_72, %mul3A_73 : i32
        %add3A_75 = arith.addi %mul3A_2, %mul3A_74 : i32
        %mul3A_76 = arith.constant 200 : i32
        %mul3A_77 = arith.muli %add3A_75, %mul3A_76 : i32
        "tpu.region"() ({
          %run_scoped3A = tpu.sem_alloc : memref<!tpu.dma_semaphore, #tpu.memory_space<semaphore_mem>>
          %dma_start3A_81 = tpu.memref_slice %arg2[%mul3A_77] : memref<3276800xi32, #tpu.memory_space<hbm>> -> memref<3200xi32, #tpu.memory_space<hbm>>
          %dma_start3A_82 = tpu.memref_slice %arg2[%mul3A_77] : memref<3276800xi32, #tpu.memory_space<hbm>> -> memref<3200xi32, #tpu.memory_space<hbm>>
          tpu.enqueue_dma source(%dma_start3A_82 : memref<3200xi32, #tpu.memory_space<hbm>>) target(%arg5 : memref<3200xi32, #tpu.memory_space<vmem>>) target_semaphore(%run_scoped3A : memref<!tpu.dma_semaphore, #tpu.memory_space<semaphore_mem>>)
          %dma_wait3A_83 = tpu.memref_slice %arg2[%mul3A_77] : memref<3276800xi32, #tpu.memory_space<hbm>> -> memref<3200xi32, #tpu.memory_space<hbm>>
          %dma_wait3A_84 = tpu.memref_slice %arg2[%mul3A_77] : memref<3276800xi32, #tpu.memory_space<hbm>> -> memref<3200xi32, #tpu.memory_space<hbm>>
          tpu.wait_dma2 semaphore(%run_scoped3A : memref<!tpu.dma_semaphore, #tpu.memory_space<semaphore_mem>>) src(%dma_wait3A_84 : memref<3200xi32, #tpu.memory_space<hbm>>) dst(%arg5 : memref<3200xi32, #tpu.memory_space<vmem>>)
          tpu.yield
        }) : () -> ()
        %dma_start3A_78 = arith.constant 0 : i32
        %dma_start3A_79 = arith.constant 0 : i32
        %dma_start3A_80 = tpu.memref_slice %arg3[%dma_start3A_78, %dma_start3A_79] : memref<1000000x32xbf16, #tpu.memory_space<hbm>> -> memref<1000000x32xbf16, #tpu.memory_space<hbm>>
        tpu.enqueue_indirect_dma source(%dma_start3A_80 : memref<1000000x32xbf16, #tpu.memory_space<hbm>>) target(%arg7 : memref<3200x32xbf16, #tpu.memory_space<vmem>>) offsets(%arg5 : memref<3200xi32, #tpu.memory_space<vmem>>) semaphore(%arg10 : memref<!tpu.dma_semaphore, #tpu.memory_space<semaphore_mem>>)
      } else {
      }
      %add3A_58 = arith.constant 1 : i32
      %add3A_59 = arith.addi %mul3A_34, %add3A_58 : i32
      %dma_wait3A_60 = arith.constant 0 : i32
      %dma_wait3A_61 = arith.constant 0 : i32
      %dma_wait3A_62 = tpu.memref_slice %arg3[%dma_wait3A_60, %dma_wait3A_61] : memref<1000000x32xbf16, #tpu.memory_space<hbm>> -> memref<1000000x32xbf16, #tpu.memory_space<hbm>>
      tpu.wait_indirect_dma semaphore(%arg11 : memref<!tpu.dma_semaphore, #tpu.memory_space<semaphore_mem>>) src(%dma_wait3A_62 : memref<1000000x32xbf16, #tpu.memory_space<hbm>>) dst(%arg8 : memref<3200x32xbf16, #tpu.memory_space<vmem>>)
      %scan3A_63 = arith.constant 0 : i32
      %scan3A_64 = arith.constant 0 : i32
      %scan3A_65 = arith.constant 16 : i32
      %scan3A_66 = arith.addi %scan3A_64, %scan3A_65 : i32
      %scan3A_67 = arith.constant 1 : i32
      %scan3A_68 = scf.for %scan3A_71 = %scan3A_64 to %scan3A_66 step %scan3A_67 iter_args(%scan3A_72 = %scan3A_63) -> (i32)  : i32 {
        %broadcast_in_dim3A = arith.constant 0.000000e+00 : f32
        %broadcast_in_dim3A_73 = vector.broadcast %broadcast_in_dim3A : f32 to vector<16xf32>
        %scan3A_74 = arith.constant 0 : i32
        %scan3A_75 = arith.constant 25 : i32
        %scan3A_76 = arith.addi %scan3A_74, %scan3A_75 : i32
        %scan3A_77 = arith.constant 1 : i32
        %scan3A_78:2 = scf.for %scan3A_120 = %scan3A_74 to %scan3A_76 step %scan3A_77 iter_args(%scan3A_121 = %broadcast_in_dim3A_73, %scan3A_122 = %broadcast_in_dim3A_73) -> (vector<16xf32>, vector<16xf32>)  : i32 {
          %mul3A_123 = arith.constant 200 : i32
          %mul3A_124 = arith.muli %scan3A_71, %mul3A_123 : i32
          %mul3A_125 = arith.constant 8 : i32
          %mul3A_126 = arith.muli %scan3A_120, %mul3A_125 : i32
          %add3A_127 = arith.addi %mul3A_124, %mul3A_126 : i32
          %add3A_128 = arith.constant 0 : i32
          %add3A_129 = arith.addi %add3A_127, %add3A_128 : i32
          %get3A = arith.index_cast %add3A_129 : i32 to index
          %get3A_130 = arith.constant 0 : index
          %get3A_131 = tpu.vector_load %arg8[%get3A, %get3A_130] {strides = array<i32>} : memref<3200x32xbf16, #tpu.memory_space<vmem>>, vector<32xbf16>,
          %unpack3A = tpu.unpack_subelements %get3A_131, 0 {pack_format = #tpu.pack_format<interleaved>} : vector<32xbf16> -> vector<16xf32>
          %unpack3A_132 = tpu.unpack_subelements %get3A_131, 1 {pack_format = #tpu.pack_format<interleaved>} : vector<32xbf16> -> vector<16xf32>
          %add3A_133 = arith.addf %scan3A_121, %unpack3A : vector<16xf32>
          %add3A_134 = arith.addf %scan3A_122, %unpack3A_132 : vector<16xf32>
          %add3A_135 = arith.constant 1 : i32
          %add3A_136 = arith.addi %add3A_127, %add3A_135 : i32
          %get3A_137 = arith.index_cast %add3A_136 : i32 to index
          %get3A_138 = arith.constant 0 : index
          %get3A_139 = tpu.vector_load %arg8[%get3A_137, %get3A_138] {strides = array<i32>} : memref<3200x32xbf16, #tpu.memory_space<vmem>>, vector<32xbf16>,
          %unpack3A_140 = tpu.unpack_subelements %get3A_139, 0 {pack_format = #tpu.pack_format<interleaved>} : vector<32xbf16> -> vector<16xf32>
          %unpack3A_141 = tpu.unpack_subelements %get3A_139, 1 {pack_format = #tpu.pack_format<interleaved>} : vector<32xbf16> -> vector<16xf32>
          %add3A_142 = arith.addf %add3A_133, %unpack3A_140 : vector<16xf32>
          %add3A_143 = arith.addf %add3A_134, %unpack3A_141 : vector<16xf32>
          %add3A_144 = arith.constant 2 : i32
          %add3A_145 = arith.addi %add3A_127, %add3A_144 : i32
          %get3A_146 = arith.index_cast %add3A_145 : i32 to index
          %get3A_147 = arith.constant 0 : index
          %get3A_148 = tpu.vector_load %arg8[%get3A_146, %get3A_147] {strides = array<i32>} : memref<3200x32xbf16, #tpu.memory_space<vmem>>, vector<32xbf16>,
          %unpack3A_149 = tpu.unpack_subelements %get3A_148, 0 {pack_format = #tpu.pack_format<interleaved>} : vector<32xbf16> -> vector<16xf32>
          %unpack3A_150 = tpu.unpack_subelements %get3A_148, 1 {pack_format = #tpu.pack_format<interleaved>} : vector<32xbf16> -> vector<16xf32>
          %add3A_151 = arith.addf %add3A_142, %unpack3A_149 : vector<16xf32>
          %add3A_152 = arith.addf %add3A_143, %unpack3A_150 : vector<16xf32>
          %add3A_153 = arith.constant 3 : i32
          %add3A_154 = arith.addi %add3A_127, %add3A_153 : i32
          %get3A_155 = arith.index_cast %add3A_154 : i32 to index
          %get3A_156 = arith.constant 0 : index
          %get3A_157 = tpu.vector_load %arg8[%get3A_155, %get3A_156] {strides = array<i32>} : memref<3200x32xbf16, #tpu.memory_space<vmem>>, vector<32xbf16>,
          %unpack3A_158 = tpu.unpack_subelements %get3A_157, 0 {pack_format = #tpu.pack_format<interleaved>} : vector<32xbf16> -> vector<16xf32>
          %unpack3A_159 = tpu.unpack_subelements %get3A_157, 1 {pack_format = #tpu.pack_format<interleaved>} : vector<32xbf16> -> vector<16xf32>
          %add3A_160 = arith.addf %add3A_151, %unpack3A_158 : vector<16xf32>
          %add3A_161 = arith.addf %add3A_152, %unpack3A_159 : vector<16xf32>
          %add3A_162 = arith.constant 4 : i32
          %add3A_163 = arith.addi %add3A_127, %add3A_162 : i32
          %get3A_164 = arith.index_cast %add3A_163 : i32 to index
          %get3A_165 = arith.constant 0 : index
          %get3A_166 = tpu.vector_load %arg8[%get3A_164, %get3A_165] {strides = array<i32>} : memref<3200x32xbf16, #tpu.memory_space<vmem>>, vector<32xbf16>,
          %unpack3A_167 = tpu.unpack_subelements %get3A_166, 0 {pack_format = #tpu.pack_format<interleaved>} : vector<32xbf16> -> vector<16xf32>
          %unpack3A_168 = tpu.unpack_subelements %get3A_166, 1 {pack_format = #tpu.pack_format<interleaved>} : vector<32xbf16> -> vector<16xf32>
          %add3A_169 = arith.addf %add3A_160, %unpack3A_167 : vector<16xf32>
          %add3A_170 = arith.addf %add3A_161, %unpack3A_168 : vector<16xf32>
          %add3A_171 = arith.constant 5 : i32
          %add3A_172 = arith.addi %add3A_127, %add3A_171 : i32
          %get3A_173 = arith.index_cast %add3A_172 : i32 to index
          %get3A_174 = arith.constant 0 : index
          %get3A_175 = tpu.vector_load %arg8[%get3A_173, %get3A_174] {strides = array<i32>} : memref<3200x32xbf16, #tpu.memory_space<vmem>>, vector<32xbf16>,
          %unpack3A_176 = tpu.unpack_subelements %get3A_175, 0 {pack_format = #tpu.pack_format<interleaved>} : vector<32xbf16> -> vector<16xf32>
          %unpack3A_177 = tpu.unpack_subelements %get3A_175, 1 {pack_format = #tpu.pack_format<interleaved>} : vector<32xbf16> -> vector<16xf32>
          %add3A_178 = arith.addf %add3A_169, %unpack3A_176 : vector<16xf32>
          %add3A_179 = arith.addf %add3A_170, %unpack3A_177 : vector<16xf32>
          %add3A_180 = arith.constant 6 : i32
          %add3A_181 = arith.addi %add3A_127, %add3A_180 : i32
          %get3A_182 = arith.index_cast %add3A_181 : i32 to index
          %get3A_183 = arith.constant 0 : index
          %get3A_184 = tpu.vector_load %arg8[%get3A_182, %get3A_183] {strides = array<i32>} : memref<3200x32xbf16, #tpu.memory_space<vmem>>, vector<32xbf16>,
          %unpack3A_185 = tpu.unpack_subelements %get3A_184, 0 {pack_format = #tpu.pack_format<interleaved>} : vector<32xbf16> -> vector<16xf32>
          %unpack3A_186 = tpu.unpack_subelements %get3A_184, 1 {pack_format = #tpu.pack_format<interleaved>} : vector<32xbf16> -> vector<16xf32>
          %add3A_187 = arith.addf %add3A_178, %unpack3A_185 : vector<16xf32>
          %add3A_188 = arith.addf %add3A_179, %unpack3A_186 : vector<16xf32>
          %add3A_189 = arith.constant 7 : i32
          %add3A_190 = arith.addi %add3A_127, %add3A_189 : i32
          %get3A_191 = arith.index_cast %add3A_190 : i32 to index
          %get3A_192 = arith.constant 0 : index
          %get3A_193 = tpu.vector_load %arg8[%get3A_191, %get3A_192] {strides = array<i32>} : memref<3200x32xbf16, #tpu.memory_space<vmem>>, vector<32xbf16>,
          %unpack3A_194 = tpu.unpack_subelements %get3A_193, 0 {pack_format = #tpu.pack_format<interleaved>} : vector<32xbf16> -> vector<16xf32>
          %unpack3A_195 = tpu.unpack_subelements %get3A_193, 1 {pack_format = #tpu.pack_format<interleaved>} : vector<32xbf16> -> vector<16xf32>
          %add3A_196 = arith.addf %add3A_187, %unpack3A_194 : vector<16xf32>
          %add3A_197 = arith.addf %add3A_188, %unpack3A_195 : vector<16xf32>
          scf.yield %add3A_196, %add3A_197 : vector<16xf32>, vector<16xf32>
        }
        %scan3A_79 = arith.constant 25 : i32
        %mul3A_80 = arith.constant 16 : i32
        %mul3A_81 = arith.muli %add3A_59, %mul3A_80 : i32
        %add3A_82 = arith.addi %mul3A_81, %scan3A_71 : i32
        %jit3A_83 = arith.constant 4 : i32
        %div3A_84 = arith.divsi %add3A_82, %jit3A_83 : i32
        %sign3A_85 = arith.constant 0 : i32
        %sign3A_86 = arith.cmpi sgt, %add3A_82, %sign3A_85 : i32
        %sign3A_87 = arith.extui %sign3A_86 : i1 to i32
        %sign3A_88 = arith.constant 0 : i32
        %sign3A_89 = arith.cmpi slt, %add3A_82, %sign3A_88 : i32
        %sign3A_90 = arith.extui %sign3A_89 : i1 to i32
        %sign3A_91 = arith.subi %sign3A_87, %sign3A_90 : i32
        %sign3A_92 = arith.constant 0 : i32
        %sign3A_93 = arith.cmpi sgt, %jit3A_83, %sign3A_92 : i32
        %sign3A_94 = arith.extui %sign3A_93 : i1 to i32
        %sign3A_95 = arith.constant 0 : i32
        %sign3A_96 = arith.cmpi slt, %jit3A_83, %sign3A_95 : i32
        %sign3A_97 = arith.extui %sign3A_96 : i1 to i32
        %sign3A_98 = arith.subi %sign3A_94, %sign3A_97 : i32
        %ne3A_99 = arith.cmpi ne, %sign3A_91, %sign3A_98 : i32
        %rem3A_100 = arith.remsi %add3A_82, %jit3A_83 : i32
        %ne3A_101 = arith.constant 0 : i32
        %ne3A_102 = arith.cmpi ne, %rem3A_100, %ne3A_101 : i32
        %and3A_103 = arith.andi %ne3A_99, %ne3A_102 : i1
        %sub3A_104 = arith.constant 1 : i32
        %sub3A_105 = arith.subi %div3A_84, %sub3A_104 : i32
        %select_n3A_106 = arith.select %and3A_103, %sub3A_105, %div3A_84 : i32
        %mul3A_107 = arith.constant 4 : i32
        %mul3A_108 = arith.muli %mul3A_107, %select_n3A_106 : i32
        %sub3A_109 = arith.subi %add3A_82, %mul3A_108 : i32
        %mul3A_110 = arith.constant 32 : i32
        %mul3A_111 = arith.muli %sub3A_109, %mul3A_110 : i32
        %swap3A = arith.index_cast %select_n3A_106 : i32 to index
        %swap3A_112 = arith.index_cast %mul3A_111 : i32 to index
        %swap3A_113 = tpu.vector_load %arg9[%swap3A, %swap3A_112] {strides = array<i32>} : memref<128x128xf32, #tpu.memory_space<vmem>>, vector<16xf32>,
        tpu.vector_store %arg9[%swap3A, %swap3A_112], %scan3A_78#0 {strides = array<i32>} : memref<128x128xf32, #tpu.memory_space<vmem>>, vector<16xf32>,
        %add3A_114 = arith.constant 16 : i32
        %add3A_115 = arith.addi %mul3A_111, %add3A_114 : i32
        %swap3A_116 = arith.index_cast %select_n3A_106 : i32 to index
        %swap3A_117 = arith.index_cast %add3A_115 : i32 to index
        %swap3A_118 = tpu.vector_load %arg9[%swap3A_116, %swap3A_117] {strides = array<i32>} : memref<128x128xf32, #tpu.memory_space<vmem>>, vector<16xf32>,
        tpu.vector_store %arg9[%swap3A_116, %swap3A_117], %scan3A_78#1 {strides = array<i32>} : memref<128x128xf32, #tpu.memory_space<vmem>>, vector<16xf32>,
        %scan3A_119 = arith.constant 0 : i32
        scf.yield %scan3A_119 : i32
      }
      %scan3A_69 = arith.constant 16 : i32
      %scan3A_70 = arith.constant 0 : i32
      scf.yield %scan3A_70 : i32
    }
    %scan3A_14 = arith.constant 16 : i32
    %jit3A = arith.constant 4 : i32
    %div3A = arith.divsi %mul3A_2, %jit3A : i32
    %sign3A = arith.constant 0 : i32
    %sign3A_15 = arith.cmpi sgt, %mul3A_2, %sign3A : i32
    %sign3A_16 = arith.extui %sign3A_15 : i1 to i32
    %sign3A_17 = arith.constant 0 : i32
    %sign3A_18 = arith.cmpi slt, %mul3A_2, %sign3A_17 : i32
    %sign3A_19 = arith.extui %sign3A_18 : i1 to i32
    %sign3A_20 = arith.subi %sign3A_16, %sign3A_19 : i32
    %sign3A_21 = arith.constant 0 : i32
    %sign3A_22 = arith.cmpi sgt, %jit3A, %sign3A_21 : i32
    %sign3A_23 = arith.extui %sign3A_22 : i1 to i32
    %sign3A_24 = arith.constant 0 : i32
    %sign3A_25 = arith.cmpi slt, %jit3A, %sign3A_24 : i32
    %sign3A_26 = arith.extui %sign3A_25 : i1 to i32
    %sign3A_27 = arith.subi %sign3A_23, %sign3A_26 : i32
    %ne3A = arith.cmpi ne, %sign3A_20, %sign3A_27 : i32
    %rem3A = arith.remsi %mul3A_2, %jit3A : i32
    %ne3A_28 = arith.constant 0 : i32
    %ne3A_29 = arith.cmpi ne, %rem3A, %ne3A_28 : i32
    %and3A = arith.andi %ne3A, %ne3A_29 : i1
    %sub3A = arith.constant 1 : i32
    %sub3A_30 = arith.subi %div3A, %sub3A : i32
    %select_n3A = arith.select %and3A, %sub3A_30, %div3A : i32
    "tpu.region"() ({
      %run_scoped3A = tpu.sem_alloc : memref<!tpu.dma_semaphore, #tpu.memory_space<semaphore_mem>>
      %dma_start3A_31 = arith.constant 0 : i32
      %dma_start3A_32 = tpu.memref_slice %arg4[%select_n3A, %dma_start3A_31] : memref<4096x128xf32, #tpu.memory_space<hbm>> -> memref<128x128xf32, #tpu.memory_space<hbm>>
      %dma_start3A_33 = arith.constant 0 : i32
      %dma_start3A_34 = tpu.memref_slice %arg4[%select_n3A, %dma_start3A_33] : memref<4096x128xf32, #tpu.memory_space<hbm>> -> memref<128x128xf32, #tpu.memory_space<hbm>>
      tpu.enqueue_dma source(%arg9 : memref<128x128xf32, #tpu.memory_space<vmem>>) target(%dma_start3A_34 : memref<128x128xf32, #tpu.memory_space<hbm>>) target_semaphore(%run_scoped3A : memref<!tpu.dma_semaphore, #tpu.memory_space<semaphore_mem>>)
      %dma_wait3A = arith.constant 0 : i32
      %dma_wait3A_35 = tpu.memref_slice %arg4[%select_n3A, %dma_wait3A] : memref<4096x128xf32, #tpu.memory_space<hbm>> -> memref<128x128xf32, #tpu.memory_space<hbm>>
      %dma_wait3A_36 = arith.constant 0 : i32
      %dma_wait3A_37 = tpu.memref_slice %arg4[%select_n3A, %dma_wait3A_36] : memref<4096x128xf32, #tpu.memory_space<hbm>> -> memref<128x128xf32, #tpu.memory_space<hbm>>
      tpu.wait_dma2 semaphore(%run_scoped3A : memref<!tpu.dma_semaphore, #tpu.memory_space<semaphore_mem>>) src(%arg9 : memref<128x128xf32, #tpu.memory_space<vmem>>) dst(%dma_wait3A_37 : memref<128x128xf32, #tpu.memory_space<hbm>>)
      tpu.yield
    }) : () -> ()
    return
  }
}

module attributes {stable_mosaic.version = 14 : i64} {
  func.func @_mlp_body(%arg0: i32, %arg1: memref<4096x128xf32, #tpu.memory_space<vmem>>, %arg2: memref<128x64xf32, #tpu.memory_space<vmem>>, %arg3: memref<1x64xf32, #tpu.memory_space<vmem>>, %arg4: memref<4096x64xf32, #tpu.memory_space<vmem>>) attributes {dimension_semantics = [#tpu.dimension_semantics<arbitrary>], iteration_bounds = array<i64: 1>, scalar_prefetch = 0 : i64, scratch_operands = 0 : i64, tpu.core_type = #tpu.core_type<tc>, window_params = [{transform_indices = @transform_0, window_bounds = array<i64: 4096, 128>}, {pipeline_mode = #tpu.pipeline_mode<synchronous>, transform_indices = @transform_1, window_bounds = array<i64: 128, 64>}, {pipeline_mode = #tpu.pipeline_mode<synchronous>, transform_indices = @transform_2, window_bounds = array<i64: 1, 64>}, {transform_indices = @transform_3, window_bounds = array<i64: 4096, 64>}]} {
    %get3A = arith.constant 0 : index
    %get3A_0 = arith.constant 0 : index
    %get3A_1 = vector.load %arg1[%get3A, %get3A_0] : memref<4096x128xf32, #tpu.memory_space<vmem>>, vector<4096x128xf32>
    %get3A_2 = arith.constant 0 : index
    %get3A_3 = arith.constant 0 : index
    %get3A_4 = vector.load %arg2[%get3A_2, %get3A_3] : memref<128x64xf32, #tpu.memory_space<vmem>>, vector<128x64xf32>
    %dot_general3A = arith.constant dense<0.000000e+00> : vector<4096x64xf32>
    %dot_general3A_5 = tpu.matmul %get3A_1, %get3A_4, %dot_general3A {dimension_numbers = #tpu.dot_dimension_numbers<[1], [0], [0], [1], [0, 0, 1, 1], [], []>, transpose_lhs_hint = false} : vector<4096x128xf32>, vector<128x64xf32>, vector<4096x64xf32> -> vector<4096x64xf32>
    %get3A_6 = arith.constant 0 : index
    %get3A_7 = arith.constant 0 : index
    %get3A_8 = vector.load %arg3[%get3A_6, %get3A_7] : memref<1x64xf32, #tpu.memory_space<vmem>>, vector<1x64xf32>
    %add3A = vector.broadcast %get3A_8 : vector<1x64xf32> to vector<4096x64xf32>
    %add3A_9 = arith.addf %dot_general3A_5, %add3A : vector<4096x64xf32>
    %swap3A = arith.constant 0 : index
    %swap3A_10 = arith.constant 0 : index
    %swap3A_11 = vector.load %arg4[%swap3A, %swap3A_10] : memref<4096x64xf32, #tpu.memory_space<vmem>>, vector<4096x64xf32>
    tpu.vector_store %arg4[%swap3A, %swap3A_10], %add3A_9 {strides = array<i32>} : memref<4096x64xf32, #tpu.memory_space<vmem>>, vector<4096x64xf32>,
    return
  }
  func.func @transform_0(%arg0: i32) -> (i32, i32) {
    %c0_i32 = arith.constant 0 : i32
    %c0_i32_0 = arith.constant 0 : i32
    return %arg0, %c0_i32 : i32, i32
  }
  func.func @transform_1(%arg0: i32) -> (i32, i32) {
    %c0_i32 = arith.constant 0 : i32
    %c0_i32_0 = arith.constant 0 : i32
    %c0_i32_1 = arith.constant 0 : i32
    return %c0_i32, %c0_i32_0 : i32, i32
  }
  func.func @transform_2(%arg0: i32) -> (i32, i32) {
    %c0_i32 = arith.constant 0 : i32
    %c0_i32_0 = arith.constant 0 : i32
    %c0_i32_1 = arith.constant 0 : i32
    return %c0_i32, %c0_i32_0 : i32, i32
  }
  func.func @transform_3(%arg0: i32) -> (i32, i32) {
    %c0_i32 = arith.constant 0 : i32
    %c0_i32_0 = arith.constant 0 : i32
    return %arg0, %c0_i32 : i32, i32
  }
}

</mosaic_0001>

<sc_bundles>
// kernel: kernel.4.cloned.1.call-start
scs
__scs_entry_jumppad:
0x0: {  	(pc) =	sbr.rel $0x88, $3  }
0x1: {  	(tag) =	ssettag $0x0;
	lr =	simm.s32 $0x1  }
0x2: {  	[smem:$0x3F9B] =	sst lr;
	_ =	strace $0xD0000000  }
0x3: {  	_ = 	snop  }
0x4: {  	_ = 	snop  }
0x5: {  	_ = 	snop  }
0x6: {  	_ = 	snop  }
0x7: {  	_ = 	snop  }
__scs_overlays_trampoline_lowered:
0x8: {  	[smem:$0x3FAA] =	sst s0  }
0x9: {  	[smem:$0x3FAB] =	sst s1  }
0xa: {  	[smem:$0x3FAC] =	sst s2  }
0xb: {  	[smem:$0x3FAD] =	sst s3  }
0xc: {  	[smem:$0x3FAE] =	sst s4  }
0xd: {  	[smem:$0x3FAF] =	sst s5  }
0xe: {  	[smem:$0x3FB0] =	sst s6  }
0xf: {  	[smem:$0x3FB1] =	sst s7  }
0x10: {  	[smem:$0x3FB2] =	sst s8  }
0x11: {  	[smem:$0x3FB3] =	sst s9;
	s0 =	simm.s32 @!p0 $0x0  }
0x12: {  	s1 =	sld [smem:$0x3F99];
	s0 =	simm.s32 @p0 $0x1  }
0x13: {  	[smem:$0x3FB4] =	sst s0;
	s0 =	simm.s32 @!p1 $0x0  }
0x14: {  	s2 =	sld [smem:$0x3F98];
	s0 =	simm.s32 @p1 $0x1  }
0x15: {  	[smem:$0x3FB5] =	sst s0;
	s0 =	simm.s32 @!p2 $0x0  }
0x16: {  	s3 =	sld [smem:$0x3FDB];
	s0 =	simm.s32 @p2 $0x1  }
0x17: {  	s4 =	simm.s32 $0x1BF5;
	[smem:$0x3FB7] =	sst s0  }
0x18: {  	s0 =	sld [smem:$0x3F9A];
	_ =	swait.ge [sflag:s4], $0x0  }
0x19: {  	s7 =	sld [smem:$0x3F9B]  }
0x1a: {  	s8 =	sadd.s32 $0xFFFFE003, lr  }
0x1b: {  	s9 =	sadd.s32 $0xFFFFFEF7, lr;
	s5 =	simm.s32 $0xFFFFFFFF;
	p2 =	slt.u32 s8, $0xFFFFF086  }
0x1c: {  	p1 =	slt.u32 s9, $0xF7A;
	s5 =	simm.s32 @!p2 $0x0  }
0x1d: {  	s5 =	simm.s32 @p1 $0x1;
	p0 =	seq.s32 s7, s2  }
0x1e: {  	s7 =	smul.u32 @!p0 $0xF7A, s2;
	p2 =	seq.s32 @!p0 s5, $0x0  }
0x1f: {  	s9 =	smul.u32 $0xF7A, s1;
	s8 =	simm.s32 @!p0 $0x1BF5;
	p2 =	por !p2, p0  }
0x20: {  	[sflag:s8] =	ssyncset.s32 @!p0 $0xFFFFF086;
	s6 =	sadd.s32 @!p0 s3, s7;
	s7 =	simm.s32 @!p0 $0x108  }
0x21: {  	s3 =	sadd.s32 s3, s9;
	s6 =	sadd.s32 @!p0 $0x88, s6;
	s7 =	simm.s32 @p2 $0x1082  }
0x22: {  	[simem:s7], [sflag:s8] =	dma.local @!p0 [hbm:s6], $0xF7A  }
0x23: {  	s9 =	sor.u32 $0xD0000000, s2;
	s6 =	simm.s32 $0x108;
	_ =	swait.ge @!p0 [sflag:s8], $0x0  }
0x24: {  	s3 =	sadd.s32 $0x88, s3;
	s6 =	simm.s32 @!p1 $0x1082;
	[sflag:s4] =	ssyncset.s32 $0xFFFFF086  }
0x25: {  	[simem:s6], [sflag:s4] =	dma.local [hbm:s3], $0xF7A  }
0x26: {  	[smem:$0x3F9B] =	sst s1;
	(tag) =	ssettag s2;
	_ =	strace s9  }
0x27: {  	s1 =	sld [smem:$0x3FAB]  }
0x28: {  	s2 =	sld [smem:$0x3FAC]  }
0x29: {  	s4 =	sld [smem:$0x3FAE]  }
0x2a: {  	p0 =	seq.s32 s5, $0x0;
	s5 =	sld [smem:$0x3FAF]  }
0x2b: {  	s6 =	sld [smem:$0x3FB0]  }
0x2c: {  	s7 =	sld [smem:$0x3FB1]  }
0x2d: {  	s3 =	simm.s32 $0x108;
	s8 =	sld [smem:$0x3FB2]  }
0x2e: {  	s3 =	simm.s32 @!p0 $0x1082;
	s9 =	sld [smem:$0x3FB3]  }
0x2f: {  	lr =	sadd.s32 s0, s3;
	s0 =	sld [smem:$0x3FAA]  }
0x30: {  	s3 =	sld [smem:$0x3FAD]  }
0x31: {  	[smem:$0x3FB6] =	sst s10  }
0x32: {  	s10 =	sld [smem:$0x3FB4];
	_ =	sdelay $0x3  }
0x33: {  	p0 =	seq.s32 s10, $0x1;
	s10 =	sld [smem:$0x3FB6];
	_ =	sdelay $0x3  }
0x34: {  	[smem:$0x3FB6] =	sst s10  }
0x35: {  	s10 =	sld [smem:$0x3FB5];
	_ =	sdelay $0x3  }
0x36: {  	p1 =	seq.s32 s10, $0x1;
	s10 =	sld [smem:$0x3FB6];
	_ =	sdelay $0x3  }
0x37: {  	[smem:$0x3FB6] =	sst s10  }
0x38: {  	s10 =	sld [smem:$0x3FB7]  }
0x39: {  	_ = 	snop;
	(pc) =	sbr.ind lr, $3  }
0x3a: {  	_ = 	snop  }
0x3b: {  	_ = 	snop  }
0x3c: {  	p2 =	seq.s32 s10, $0x1;
	s10 =	sld [smem:$0x3FB6]  }
0x3d: {  	_ =	shalt  }
0x3e: {  	_ =	shalt  }
0x3f: {  	_ =	shalt  }
0x40: {  	_ =	shalt  }
0x41: {  	_ =	shalt  }
0x42: {  	_ =	shalt  }
0x43: {  	_ =	shalt  }
0x44: {  	_ =	shalt  }
0x45: {  	_ =	shalt  }
0x46: {  	_ =	shalt  }
0x47: {  	_ =	shalt  }
0x48: {  	_ =	shalt  }
0x49: {  	_ =	shalt  }
0x4a: {  	_ =	shalt  }
0x4b: {  	_ =	shalt  }
0x4c: {  	_ =	shalt  }
0x4d: {  	_ =	shalt  }
0x4e: {  	_ =	shalt  }
0x4f: {  	_ =	shalt  }
0x50: {  	_ =	shalt  }
0x51: {  	_ =	shalt  }
0x52: {  	_ =	shalt  }
0x53: {  	_ =	shalt  }
0x54: {  	_ =	shalt  }
0x55: {  	_ =	shalt  }
0x56: {  	_ =	shalt  }
0x57: {  	_ =	shalt  }
0x58: {  	_ =	shalt  }
0x59: {  	_ =	shalt  }
0x5a: {  	_ =	shalt  }
0x5b: {  	_ =	shalt  }
0x5c: {  	_ =	shalt  }
0x5d: {  	_ =	shalt  }
0x5e: {  	_ =	shalt  }
0x5f: {  	_ =	shalt  }
0x60: {  	_ =	shalt  }
0x61: {  	_ =	shalt  }
0x62: {  	_ =	shalt  }
0x63: {  	_ =	shalt  }
0x64: {  	_ =	shalt  }
0x65: {  	_ =	shalt  }
0x66: {  	_ =	shalt  }
0x67: {  	_ =	shalt  }
0x68: {  	_ =	shalt  }
0x69: {  	_ =	shalt  }
0x6a: {  	_ =	shalt  }
0x6b: {  	_ =	shalt  }
0x6c: {  	_ =	shalt  }
0x6d: {  	_ =	shalt  }
0x6e: {  	_ =	shalt  }
0x6f: {  	_ =	shalt  }
0x70: {  	_ =	shalt  }
0x71: {  	_ =	shalt  }
0x72: {  	_ =	shalt  }
0x73: {  	_ =	shalt  }
0x74: {  	_ =	shalt  }
0x75: {  	_ =	shalt  }
0x76: {  	_ =	shalt  }
0x77: {  	_ =	shalt  }
0x78: {  	_ =	shalt  }
0x79: {  	_ =	shalt  }
0x7a: {  	_ =	shalt  }
0x7b: {  	_ =	shalt  }
0x7c: {  	_ =	shalt  }
0x7d: {  	_ =	shalt  }
0x7e: {  	_ =	shalt  }
0x7f: {  	_ =	shalt  }
0x80: {  	_ =	shalt  }
0x81: {  	_ =	shalt  }
0x82: {  	_ =	shalt  }
0x83: {  	_ =	shalt  }
0x84: {  	_ =	shalt  }
0x85: {  	_ =	shalt  }
0x86: {  	_ =	shalt  }
0x87: {  	_ =	shalt  }
.Lfunc_end0:
.L_simem_size_0:
called_computation.2_lowered:
.L_overlay_start_0:
0x88: {  	s2 =	sld [smem:$0x3FD9]  }
0x89: {  	s3 =	sld [smem:$0x3FFE];
	_ =	sdelay $0x1  }
0x8a: {  	s1 =	srdreg.scid  }
0x8b: {  	s0 =	sand.u32 $0x1, s1  }
0x8c: {  	s16 =	sshll.u32 s0, $0xA;
	s2 =	sadd.s32 s3, s2  }
0x8d: {  	s2 =	sadd.s32 s2, s16  }
0x8e: {  	[smem:$0x3FC2] =	sst s2  }
0x8f: {  	_ = 	snop  }
0x90: {  	(tm) =	ssettm $0x1  }
0x91: {  	s17 =	sld [smem:$0x3FFB];
	_ =	sdelay $0x3  }
0x92: {  	_ =	strace s17  }
0x93: {  	s2 =	sld [smem:$0x3FFC];
	_ =	sdelay $0x3  }
0x94: {  	_ =	strace s2  }
0x95: {  	s2 =	sld [smem:$0x3FFD];
	_ =	sdelay $0x3  }
0x96: {  	_ =	strace s2  }
0x97: {  	_ =	strace $0x8FFFFFFF  }
0x98: {  	s18 =	sld [smem:$0x3FDB];
	_ =	sdelay $0x1  }
0x99: {  	s19 =	simm.s32 $_scs_section_size  }
0x9a: {  	s4 =	simm.s32 $_size__tile_overlayer_lowered;
	s5 =	simm.s32 $_tile_overlayer_lowered  }
0x9b: {  	s22 =	simm.s32 $0x1BFF;
	s21 =	sshll.u32 s5, $0x1;
	s2 =	sadd.s32 s19, s18  }
0x9c: {  	s6 =	simm.s32 $0x0;
	s20 =	sshll.u32 s4, $0x1;
	s4 =	sadd.s32 s21, s2  }
0x9d: {  	[timem:s6], [sflag:s22] =	dma.local [hbm:s4], s20  }
0x9e: {  	_ =	swait.ge [sflag:s22], s20  }
0x9f: {  	s3 =	ssub.s32 $0x0, s20;
	[sflag:s22] =	ssyncset.done $0x0  }
0xa0: {  	[sflag:s22] =	ssyncadd.s32 s3;
	_ =	sdelay $0x1  }
0xa1: {  	s23 =	simm.s32 $0x1B8B  }
0xa2: {  	_ =	swait.ge [sflag:s23], $0x1  }
0xa3: {  	[sflag:s23] =	ssyncset.done $0x0  }
0xa4: {  	s25 =	simm.s32 $0x1B8E;
	s24 =	sld [smem:$0x3FFE];
	[sflag:s23] =	ssyncadd.s32 $0xFFFFFFFF  }
0xa5: {  	s26 =	simm.s32 $execute0_lowered;
	[smem:$0x3FD2] =	sst s25  }
0xa6: {  	s4 =	sshll.u32 s26, $0x1;
	_ =	strace $0x8000004C;
	[dreg:$0x1] =	wrdreg $0xFFFFFFFF  }
0xa7: {  	s28 =	simm.s32 $_size_execute0_lowered;
	s2 =	sadd.s32 s2, s4;
	[dreg:$0x0] =	wrdreg $0x0  }
0xa8: {  	s4 =	sshll.u32 s28, $0x1;
	[dreg:$0x2] =	wrdreg s2  }
0xa9: {  	[dreg:$0x3] =	wrdreg s4  }
0xaa: {  	[dreg:$0x4] =	wrdreg $0xC0  }
0xab: {  	_ =	task [dreg:s6], $0x5FFFF  }
0xac: {  	[dreg:$0x1] =	wrdreg $0xFFFFFFFF  }
0xad: {  	[dreg:$0x0] =	wrdreg $0x60  }
0xae: {  	[dreg:$0x2] =	wrdreg s24  }
0xaf: {  	[dreg:$0x3] =	wrdreg $0x9  }
0xb0: {  	_ =	task.clear_ibuf [dreg:s6], $0x4FFFF;
	_ =	strace $0x9000004C  }
0xb1: {  	s29 =	simm.s32 $0x9;
	_ =	strace $0x8000004E  }
0xb2: {  	_ =	swait.ge [sflag:s29], $0x1  }
0xb3: {  	[sflag:s29] =	ssyncadd.s32 $0xFFFFFFFF  }
0xb4: {  	_ =	strace $0x9000004E  }
0xb5: {  	_ =	sfence  }
0xb6: {  	s30 =	sld [smem:$0x0];
	_ =	sdelay $0x2  }
0xb7: {  	s31 =	sshll.u32 s1, $0xD;
	s1 =	sshrl.u32 s1, $0x2  }
0xb8: {  	s3 =	sand.u32 $0x4000, s31;
	s1 =	sadd.s32 s1, s30  }
0xb9: {  	s0 =	sor.u32 s3, s0;
	s1 =	sshll.u32 s1, $0x11  }
0xba: {  	s0 =	sor.u32 s1, s0  }
0xbb: {  	s0 =	sadd.s32 $0x8F2B, s0  }
0xbc: {  	[sflag:s0] =	ssyncadd.remote.s32 $0x1  }
0xbd: {  	_ =	sfence.sel $0xFFFF  }
0xbe: {  	[dreg:$0x0] =	wrdreg $0xFFFFFFFF;
	(pc) =	sbr.abs _section_cstart, $3  }
0xbf: {  	[dreg:$0x1] =	wrdreg $0xFFFFFFFF  }
0xc0: {  	_ =	task.clear_ibuf [dreg:s6], $0x2FFFF;
	_ =	strace $0x9FFFFFFF  }
0xc1: {  	(tm) =	ssettm $0x7FFFFFFF  }
tec
execute0_lowered:
.L_overlay_start_1:
0x0: {  	(tag) =	ssettag $0x1  }
0x1: {  	s5 =	rddreg [dreg:$0x0]  }
0x2: {  	s0 =	rddreg [dreg:$0x1];
	s2 =	simm.s32 $0x0;
	s4 =	srdreg.scid  }
0x3: {  	s1 =	stileid.u32;
	s11 =	simm.s32 $0xC80;
	s12 =	simm.s32 $0x1900  }
0x4: {  	s13 =	simm.s32 $0xE100;
	s14 =	simm.s32 $0x1;
	s15 =	simm.s32 $0x2  }
0x5: {  	s16 =	simm.s32 $0x1A900;
	s17 =	simm.s32 $0x0;
	[smem:$0x7FF] =	sst s2  }
0x6: {  	s3 =	sadd.s32 $0x3D2000, s5;
	s6 =	sand.u32 $0x1, s4;
	s7 =	sshll.u32 s1, $0x1  }
0x7: {  	s4 =	sadd.s32 $0x1400, s5;
	_ =	strace $0x8000004D;
	s7 =	sor.u32 s6, s7  }
0x8: {  	s6 =	ssub.s32 $0x2, s6;
	s8 =	sshll.u32 s7, $0xB;
	s10 =	smul.u32 $0x3200, s7  }
0x9: {  	s9 =	sshrl.u32 s6, $0x1;
	s8 =	sadd.s32 s8, s5;
	s5 =	sshll.u32 s7, $0x9  }
0xa: {  	s9 =	ssub.s32 s6, s9;
	s6 =	sadd.s32 s3, s10;
	s7 =	sor.u32 $0x20, s5  }
0xb: {  	s8 =	sadd.s32 $0x1E9A00, s8;
	s9 =	smax.u32 s9, $0x1;
	s10 =	simm.s32 $0x3  }
.LBB2_1:
0xc: {  	[tilespmem:s2], [sflag:$0x3] =	stream.linear.gather [hbm4b:s6+s2], $0xC80, $0x38;
	[tilespmem:$0x1E900] =	vst v63  }
0xd: {  	_ =	swait.ge [sflag:s10], $0xC80  }
0xe: {  	[sflag:s10] =	ssyncset.done $0x0  }
0xf: {  	s18 =	simm.s32 $0x0;
	[sflag:s10] =	ssyncadd.s32 $0xFFFFF380  }
0x10: {  	[tilespmem:s12], [sflag:$0x1] =	stream.indirect.gather [hbm4b:s4+s11], $0x10, s2, s11, $0xb8;
	[tilespmem:$0x1E900] =	vst v63  }
.LBB2_2:
0x11: {  	s20 =	sshll.u32 s18, $0x5  }
0x12: {  	s19 =	sor.u32 $0x10, s20  }
0x13: {  	s21 =	sadd.s32 s5, s19  }
0x14: {  	s21 =	smul.u32 $0x19, s21;
	_ =	sdelay $0x1  }
0x15: {  	s22 =	sadd.s32 s3, s21;
	s21 =	simm.s32 $0x0  }
0x16: {  	[tilespmem:s11], [sflag:$0x3] =	stream.linear.gather [hbm4b:s22+s21], $0xC80, $0x38;
	[tilespmem:$0x1E900] =	vst v63  }
0x17: {  	_ =	swait.ge [sflag:s10], $0xC80  }
0x18: {  	[sflag:s10] =	ssyncset.done $0x0  }
0x19: {  	[sflag:s10] =	ssyncadd.s32 $0xFFFFF380  }
0x1a: {  	[tilespmem:s13], [sflag:$0x2] =	stream.indirect.gather [hbm4b:s4+s11], $0x10, s11, s11, $0xb8;
	[tilespmem:$0x1E900] =	vst v63  }
0x1b: {  	_ =	swait.ge [sflag:s14], $0xC800  }
0x1c: {  	[sflag:s14] =	ssyncset.done $0x0  }
0x1d: {  	s22 =	simm.s32 $0x1940;
	[sflag:s14] =	ssyncadd.s32 $0xFFFF3800  }
.LBB2_3:
0x1e: {  	v0 =	vmov s22;
	_ =	sdelay $0x3  }
0x1f: {  	s23 =	simm.s32 $0x0  }
0x20: {  	v1 =	vld.idx.msk [tilespmem:v0+s23+$0xFFFFFFC0 ss:$0x1], $0xffff;
	_ =	sdelay $0x1  }
0x21: {  	v2 =	vld.idx.msk [tilespmem:v0+s23+$0xFFFFFFD0 ss:$0x1], $0xffff;
	_ =	sdelay $0x1  }
0x22: {  	v3 =	vld.idx.msk [tilespmem:v0+s23+$0xFFFFFFE0 ss:$0x1], $0xffff  }
0x23: {  	v4 =	vimm.f32 $0.0e+00;
	v5 =	vunpack.i.u.bf16.f32 v1;
	v1 =	vunpack.i.l.bf16.f32 v1  }
0x24: {  	v6 =	vld.idx.msk [tilespmem:v0+s23+$0xFFFFFFF0 ss:$0x1], $0xffff;
	v1 =	vadd.f32 v1, v4;
	v4 =	vadd.f32 v5, v4  }
0x25: {  	v5 =	vunpack.i.u.bf16.f32 v2;
	v2 =	vunpack.i.l.bf16.f32 v2  }
0x26: {  	v7 =	vld.idx.msk [tilespmem:v0+s23+$0x0 ss:$0x1], $0xffff;
	v1 =	vadd.f32 v2, v1;
	v2 =	vadd.f32 v5, v4  }
0x27: {  	v4 =	vunpack.i.u.bf16.f32 v3;
	v3 =	vunpack.i.l.bf16.f32 v3  }
0x28: {  	v1 =	vadd.f32 v3, v1;
	v2 =	vadd.f32 v4, v2;
	v3 =	vld.idx.msk [tilespmem:v0+s23+$0x10 ss:$0x1], $0xffff  }
0x29: {  	v5 =	vunpack.i.l.bf16.f32 v6;
	v4 =	vunpack.i.u.bf16.f32 v6  }
0x2a: {  	v5 =	vadd.f32 v5, v1;
	v6 =	vadd.f32 v4, v2;
	v2 =	vld.idx.msk [tilespmem:v0+s23+$0x20 ss:$0x1], $0xffff  }
0x2b: {  	v8 =	vunpack.i.u.bf16.f32 v7;
	v4 =	vunpack.i.l.bf16.f32 v7  }
0x2c: {  	s24 =	simm.s32 $0x400;
	v1 =	vld.idx.msk [tilespmem:v0+s23+$0x30 ss:$0x1], $0xffff;
	s23 =	simm.s32 $0x80;
	v4 =	vadd.f32 v4, v5;
	v5 =	vadd.f32 v8, v6  }
.LBB2_4:
0x2d: {  	p0 =	sne.s32 s24, $0x3000;
	v6 =	vld.idx.msk [tilespmem:v0+s23+$0xFFFFFFC0 ss:$0x1], $0xffff;
	v7 =	vunpack.i.u.bf16.f32 v3;
	v3 =	vunpack.i.l.bf16.f32 v3  }
0x2e: {  	v3 =	vadd.f32 v3, v4;
	v4 =	vadd.f32 v7, v5  }
0x2f: {  	v7 =	vunpack.i.u.bf16.f32 v2;
	v2 =	vunpack.i.l.bf16.f32 v2;
	v5 =	vld.idx.msk [tilespmem:v0+s23+$0xFFFFFFD0 ss:$0x1], $0xffff  }
0x30: {  	v2 =	vadd.f32 v2, v3;
	v3 =	vadd.f32 v7, v4  }
0x31: {  	v7 =	vunpack.i.u.bf16.f32 v1;
	v1 =	vunpack.i.l.bf16.f32 v1;
	v4 =	vld.idx.msk [tilespmem:v0+s23+$0xFFFFFFE0 ss:$0x1], $0xffff  }
0x32: {  	v1 =	vadd.f32 v1, v2;
	v2 =	vadd.f32 v7, v3  }
0x33: {  	v3 =	vunpack.i.u.bf16.f32 v6;
	v6 =	vunpack.i.l.bf16.f32 v6;
	v7 =	vld.idx.msk [tilespmem:v0+s23+$0xFFFFFFF0 ss:$0x1], $0xffff  }
0x34: {  	v1 =	vadd.f32 v6, v1;
	v2 =	vadd.f32 v3, v2  }
0x35: {  	v3 =	vunpack.i.u.bf16.f32 v5;
	v5 =	vunpack.i.l.bf16.f32 v5;
	v6 =	vld.idx.msk [tilespmem:v0+s23+$0x0 ss:$0x1], $0xffff  }
0x36: {  	v1 =	vadd.f32 v5, v1;
	v2 =	vadd.f32 v3, v2  }
0x37: {  	v5 =	vunpack.i.u.bf16.f32 v4;
	v4 =	vunpack.i.l.bf16.f32 v4;
	v3 =	vld.idx.msk [tilespmem:v0+s23+$0x10 ss:$0x1], $0xffff  }
.Ltmp0:
0x38: {  	v1 =	vadd.f32 v4, v1;
	v4 =	vadd.f32 v5, v2;
	(pc) =	sbr.rel @p0 .LBB2_4-.Ltmp0, $4  }
0x39: {  	v5 =	vunpack.i.u.bf16.f32 v7;
	v7 =	vunpack.i.l.bf16.f32 v7;
	v2 =	vld.idx.msk [tilespmem:v0+s23+$0x20 ss:$0x1], $0xffff  }
0x3a: {  	v7 =	vadd.f32 v7, v1;
	v5 =	vadd.f32 v5, v4  }
0x3b: {  	v8 =	vunpack.i.u.bf16.f32 v6;
	v4 =	vunpack.i.l.bf16.f32 v6;
	v1 =	vld.idx.msk [tilespmem:v0+s23+$0x30 ss:$0x1], $0xffff  }
0x3c: {  	s23 =	sshra.s32 s24, $0x2;
	s24 =	sadd.s32 $0x200, s24;
	v4 =	vadd.f32 v4, v7;
	v5 =	vadd.f32 v8, v5  }
0x3d: {  	_ =	sdelay $0x2  }
0x3e: {  	v6 =	vunpack.i.l.bf16.f32 v3  }
0x3f: {  	v7 =	vld.idx.msk [tilespmem:v0+s23+$0xFFFFFFC0 ss:$0x1], $0xffff;
	v37 =	vunpack.i.u.bf16.f32 v3;
	v4 =	vadd.f32 v6, v4  }
0x40: {  	v3 =	vadd.f32 v37, v5;
	v38 =	vunpack.i.l.bf16.f32 v2  }
0x41: {  	v39 =	vld.idx.msk [tilespmem:v0+s23+$0xFFFFFFD0 ss:$0x1], $0xffff;
	v40 =	vunpack.i.u.bf16.f32 v2;
	v4 =	vadd.f32 v38, v4  }
0x42: {  	v2 =	vadd.f32 v40, v3;
	v41 =	vunpack.i.l.bf16.f32 v1  }
0x43: {  	v42 =	vld.idx.msk [tilespmem:v0+s23+$0xFFFFFFE0 ss:$0x1], $0xffff;
	v43 =	vunpack.i.u.bf16.f32 v1;
	v3 =	vadd.f32 v41, v4  }
0x44: {  	v1 =	vadd.f32 v43, v2;
	v44 =	vunpack.i.l.bf16.f32 v7  }
0x45: {  	v46 =	vld.idx.msk [tilespmem:v0+s23+$0xFFFFFFF0 ss:$0x1], $0xffff;
	v45 =	vunpack.i.u.bf16.f32 v7;
	v2 =	vadd.f32 v44, v3  }
0x46: {  	v47 =	vunpack.i.l.bf16.f32 v39;
	v1 =	vadd.f32 v45, v1  }
0x47: {  	v49 =	vld.idx.msk [tilespmem:v0+s23+$0x0 ss:$0x1], $0xffff;
	v48 =	vunpack.i.u.bf16.f32 v39;
	v2 =	vadd.f32 v47, v2  }
0x48: {  	v50 =	vunpack.i.l.bf16.f32 v42;
	v1 =	vadd.f32 v48, v1  }
0x49: {  	v52 =	vld.idx.msk [tilespmem:v0+s23+$0x10 ss:$0x1], $0xffff;
	v51 =	vunpack.i.u.bf16.f32 v42;
	v2 =	vadd.f32 v50, v2  }
0x4a: {  	v53 =	vunpack.i.l.bf16.f32 v46;
	v1 =	vadd.f32 v51, v1  }
0x4b: {  	v55 =	vld.idx.msk [tilespmem:v0+s23+$0x20 ss:$0x1], $0xffff;
	v54 =	vunpack.i.u.bf16.f32 v46;
	v2 =	vadd.f32 v53, v2  }
0x4c: {  	v56 =	vunpack.i.l.bf16.f32 v49;
	v1 =	vadd.f32 v54, v1  }
0x4d: {  	v58 =	vld.idx.msk [tilespmem:v0+s23+$0x30 ss:$0x1], $0xffff;
	v57 =	vunpack.i.u.bf16.f32 v49;
	v2 =	vadd.f32 v56, v2  }
0x4e: {  	v59 =	vunpack.i.l.bf16.f32 v52;
	v1 =	vadd.f32 v57, v1  }
0x4f: {  	v60 =	vunpack.i.u.bf16.f32 v52;
	v2 =	vadd.f32 v59, v2  }
0x50: {  	s31 =	sadd.s32 s20, s21;
	s21 =	sadd.s32 $0x1, s21;
	v61 =	vunpack.i.l.bf16.f32 v55;
	v1 =	vadd.f32 v60, v1  }
0x51: {  	p0 =	sne.s32 s21, $0x10;
	v62 =	vunpack.i.u.bf16.f32 v55;
	v2 =	vadd.f32 v61, v2  }
.Ltmp1:
0x52: {  	v63 =	vunpack.i.l.bf16.f32 v58;
	v1 =	vadd.f32 v62, v1;
	(pc) =	sbr.rel @p0 .LBB2_3-.Ltmp1, $4  }
0x53: {  	s23 =	sshll.u32 s31, $0x5;
	v0 =	vunpack.i.u.bf16.f32 v58;
	v2 =	vadd.f32 v63, v2  }
0x54: {  	s23 =	sand.u32 $0x3FFFFFE0, s23;
	v0 =	vadd.f32 v0, v1  }
0x55: {  	[tilespmem:s23+$0x1A900] =	vst v2  }
0x56: {  	s22 =	sadd.s32 $0xC80, s22;
	[tilespmem:s23+$0x1A910] =	vst v0  }
0x57: {  	p0 =	seq.s32 s18, $0xF  }
0x58: {  	s20 =	sadd.s32 @!p0 s20, s7  }
0x59: {  	s20 =	smul.u32 @!p0 $0x19, s20;
	_ =	sdelay $0x1  }
0x5a: {  	s21 =	simm.s32 @!p0 $0x0;
	s20 =	sadd.s32 @!p0 s3, s20  }
0x5b: {  	[tilespmem:s21], [sflag:$0x3] =	stream.linear.gather @!p0 [hbm4b:s20+s21], $0xC80, $0x38;
	[tilespmem:$0x1E900] =	vst v63  }
0x5c: {  	s20 =	simm.s32 @!p0 $0x3  }
0x5d: {  	_ =	swait.ge @!p0 [sflag:s20], $0xC80  }
0x5e: {  	[sflag:s20] =	ssyncset.done @!p0 $0x0  }
0x5f: {  	s22 =	simm.s32 @!p0 $0x1900;
	[sflag:s20] =	ssyncadd.s32 @!p0 $0xFFFFF380;
	s20 =	simm.s32 @!p0 $0xC80  }
0x60: {  	[tilespmem:s22], [sflag:$0x1] =	stream.indirect.gather @!p0 [hbm4b:s4+s20], $0x10, s21, s20, $0xb8;
	[tilespmem:$0x1E900] =	vst v63  }
0x61: {  	_ =	swait.ge [sflag:s15], $0xC800  }
0x62: {  	[sflag:s15] =	ssyncset.done $0x0  }
0x63: {  	s20 =	simm.s32 $0x0;
	s21 =	simm.s32 $0xE140;
	[sflag:s15] =	ssyncadd.s32 $0xFFFF3800  }
.LBB2_7:
0x64: {  	v0 =	vmov s21;
	_ =	sdelay $0x3  }
0x65: {  	s22 =	simm.s32 $0x0  }
0x66: {  	v1 =	vld.idx.msk [tilespmem:v0+s22+$0xFFFFFFC0 ss:$0x1], $0xffff;
	_ =	sdelay $0x1  }
0x67: {  	v2 =	vld.idx.msk [tilespmem:v0+s22+$0xFFFFFFD0 ss:$0x1], $0xffff;
	_ =	sdelay $0x1  }
0x68: {  	v3 =	vld.idx.msk [tilespmem:v0+s22+$0xFFFFFFE0 ss:$0x1], $0xffff  }
0x69: {  	v4 =	vimm.f32 $0.0e+00;
	v5 =	vunpack.i.u.bf16.f32 v1;
	v1 =	vunpack.i.l.bf16.f32 v1  }
0x6a: {  	v6 =	vld.idx.msk [tilespmem:v0+s22+$0xFFFFFFF0 ss:$0x1], $0xffff;
	v1 =	vadd.f32 v1, v4;
	v4 =	vadd.f32 v5, v4  }
0x6b: {  	v5 =	vunpack.i.u.bf16.f32 v2;
	v2 =	vunpack.i.l.bf16.f32 v2  }
0x6c: {  	v7 =	vld.idx.msk [tilespmem:v0+s22+$0x0 ss:$0x1], $0xffff;
	v1 =	vadd.f32 v2, v1;
	v2 =	vadd.f32 v5, v4  }
0x6d: {  	v4 =	vunpack.i.u.bf16.f32 v3;
	v3 =	vunpack.i.l.bf16.f32 v3  }
0x6e: {  	v1 =	vadd.f32 v3, v1;
	v2 =	vadd.f32 v4, v2;
	v3 =	vld.idx.msk [tilespmem:v0+s22+$0x10 ss:$0x1], $0xffff  }
0x6f: {  	v5 =	vunpack.i.l.bf16.f32 v6;
	v4 =	vunpack.i.u.bf16.f32 v6  }
0x70: {  	v5 =	vadd.f32 v5, v1;
	v6 =	vadd.f32 v4, v2;
	v2 =	vld.idx.msk [tilespmem:v0+s22+$0x20 ss:$0x1], $0xffff  }
0x71: {  	v8 =	vunpack.i.u.bf16.f32 v7;
	v4 =	vunpack.i.l.bf16.f32 v7  }
0x72: {  	s23 =	simm.s32 $0x400;
	v1 =	vld.idx.msk [tilespmem:v0+s22+$0x30 ss:$0x1], $0xffff;
	s22 =	simm.s32 $0x80;
	v4 =	vadd.f32 v4, v5;
	v5 =	vadd.f32 v8, v6  }
.LBB2_8:
0x73: {  	p0 =	sne.s32 s23, $0x3000;
	v6 =	vld.idx.msk [tilespmem:v0+s22+$0xFFFFFFC0 ss:$0x1], $0xffff;
	v7 =	vunpack.i.u.bf16.f32 v3;
	v3 =	vunpack.i.l.bf16.f32 v3  }
0x74: {  	v3 =	vadd.f32 v3, v4;
	v4 =	vadd.f32 v7, v5  }
0x75: {  	v7 =	vunpack.i.u.bf16.f32 v2;
	v2 =	vunpack.i.l.bf16.f32 v2;
	v5 =	vld.idx.msk [tilespmem:v0+s22+$0xFFFFFFD0 ss:$0x1], $0xffff  }
0x76: {  	v2 =	vadd.f32 v2, v3;
	v3 =	vadd.f32 v7, v4  }
0x77: {  	v7 =	vunpack.i.u.bf16.f32 v1;
	v1 =	vunpack.i.l.bf16.f32 v1;
	v4 =	vld.idx.msk [tilespmem:v0+s22+$0xFFFFFFE0 ss:$0x1], $0xffff  }
0x78: {  	v1 =	vadd.f32 v1, v2;
	v2 =	vadd.f32 v7, v3  }
0x79: {  	v3 =	vunpack.i.u.bf16.f32 v6;
	v6 =	vunpack.i.l.bf16.f32 v6;
	v7 =	vld.idx.msk [tilespmem:v0+s22+$0xFFFFFFF0 ss:$0x1], $0xffff  }
0x7a: {  	v1 =	vadd.f32 v6, v1;
	v2 =	vadd.f32 v3, v2  }
0x7b: {  	v3 =	vunpack.i.u.bf16.f32 v5;
	v5 =	vunpack.i.l.bf16.f32 v5;
	v6 =	vld.idx.msk [tilespmem:v0+s22+$0x0 ss:$0x1], $0xffff  }
0x7c: {  	v1 =	vadd.f32 v5, v1;
	v2 =	vadd.f32 v3, v2  }
0x7d: {  	v5 =	vunpack.i.u.bf16.f32 v4;
	v4 =	vunpack.i.l.bf16.f32 v4;
	v3 =	vld.idx.msk [tilespmem:v0+s22+$0x10 ss:$0x1], $0xffff  }
.Ltmp2:
0x7e: {  	v1 =	vadd.f32 v4, v1;
	v4 =	vadd.f32 v5, v2;
	(pc) =	sbr.rel @p0 .LBB2_8-.Ltmp2, $4  }
0x7f: {  	v5 =	vunpack.i.u.bf16.f32 v7;
	v7 =	vunpack.i.l.bf16.f32 v7;
	v2 =	vld.idx.msk [tilespmem:v0+s22+$0x20 ss:$0x1], $0xffff  }
0x80: {  	v7 =	vadd.f32 v7, v1;
	v5 =	vadd.f32 v5, v4  }
0x81: {  	v8 =	vunpack.i.u.bf16.f32 v6;
	v4 =	vunpack.i.l.bf16.f32 v6;
	v1 =	vld.idx.msk [tilespmem:v0+s22+$0x30 ss:$0x1], $0xffff  }
0x82: {  	s22 =	sshra.s32 s23, $0x2;
	s23 =	sadd.s32 $0x200, s23;
	v4 =	vadd.f32 v4, v7;
	v5 =	vadd.f32 v8, v5  }
0x83: {  	_ =	sdelay $0x2  }
0x84: {  	v6 =	vunpack.i.l.bf16.f32 v3  }
0x85: {  	v7 =	vld.idx.msk [tilespmem:v0+s22+$0xFFFFFFC0 ss:$0x1], $0xffff;
	v37 =	vunpack.i.u.bf16.f32 v3;
	v4 =	vadd.f32 v6, v4  }
0x86: {  	v3 =	vadd.f32 v37, v5;
	v38 =	vunpack.i.l.bf16.f32 v2  }
0x87: {  	v39 =	vld.idx.msk [tilespmem:v0+s22+$0xFFFFFFD0 ss:$0x1], $0xffff;
	v40 =	vunpack.i.u.bf16.f32 v2;
	v4 =	vadd.f32 v38, v4  }
0x88: {  	v2 =	vadd.f32 v40, v3;
	v41 =	vunpack.i.l.bf16.f32 v1  }
0x89: {  	v42 =	vld.idx.msk [tilespmem:v0+s22+$0xFFFFFFE0 ss:$0x1], $0xffff;
	v43 =	vunpack.i.u.bf16.f32 v1;
	v3 =	vadd.f32 v41, v4  }
0x8a: {  	v1 =	vadd.f32 v43, v2;
	v44 =	vunpack.i.l.bf16.f32 v7  }
0x8b: {  	v46 =	vld.idx.msk [tilespmem:v0+s22+$0xFFFFFFF0 ss:$0x1], $0xffff;
	v45 =	vunpack.i.u.bf16.f32 v7;
	v2 =	vadd.f32 v44, v3  }
0x8c: {  	v47 =	vunpack.i.l.bf16.f32 v39;
	v1 =	vadd.f32 v45, v1  }
0x8d: {  	v49 =	vld.idx.msk [tilespmem:v0+s22+$0x0 ss:$0x1], $0xffff;
	v48 =	vunpack.i.u.bf16.f32 v39;
	v2 =	vadd.f32 v47, v2  }
0x8e: {  	v50 =	vunpack.i.l.bf16.f32 v42;
	v1 =	vadd.f32 v48, v1  }
0x8f: {  	v52 =	vld.idx.msk [tilespmem:v0+s22+$0x10 ss:$0x1], $0xffff;
	v51 =	vunpack.i.u.bf16.f32 v42;
	v2 =	vadd.f32 v50, v2  }
0x90: {  	v53 =	vunpack.i.l.bf16.f32 v46;
	v1 =	vadd.f32 v51, v1  }
0x91: {  	v55 =	vld.idx.msk [tilespmem:v0+s22+$0x20 ss:$0x1], $0xffff;
	v54 =	vunpack.i.u.bf16.f32 v46;
	v2 =	vadd.f32 v53, v2  }
0x92: {  	v56 =	vunpack.i.l.bf16.f32 v49;
	v1 =	vadd.f32 v54, v1  }
0x93: {  	v58 =	vld.idx.msk [tilespmem:v0+s22+$0x30 ss:$0x1], $0xffff;
	v57 =	vunpack.i.u.bf16.f32 v49;
	v2 =	vadd.f32 v56, v2  }
0x94: {  	v59 =	vunpack.i.l.bf16.f32 v52;
	v1 =	vadd.f32 v57, v1  }
0x95: {  	v60 =	vunpack.i.u.bf16.f32 v52;
	v2 =	vadd.f32 v59, v2  }
0x96: {  	s31 =	sadd.s32 s19, s20;
	s20 =	sadd.s32 $0x1, s20;
	v61 =	vunpack.i.l.bf16.f32 v55;
	v1 =	vadd.f32 v60, v1  }
0x97: {  	p0 =	sne.s32 s20, $0x10;
	v62 =	vunpack.i.u.bf16.f32 v55;
	v2 =	vadd.f32 v61, v2  }
.Ltmp3:
0x98: {  	v63 =	vunpack.i.l.bf16.f32 v58;
	v1 =	vadd.f32 v62, v1;
	(pc) =	sbr.rel @p0 .LBB2_7-.Ltmp3, $4  }
0x99: {  	s22 =	sshll.u32 s31, $0x5;
	v0 =	vunpack.i.u.bf16.f32 v58;
	v2 =	vadd.f32 v63, v2  }
0x9a: {  	s22 =	sand.u32 $0x3FFFFFE0, s22;
	v0 =	vadd.f32 v0, v1  }
0x9b: {  	[tilespmem:s22+$0x1A900] =	vst v2  }
0x9c: {  	s21 =	sadd.s32 $0xC80, s21;
	[tilespmem:s22+$0x1A910] =	vst v0  }
0x9d: {  	s18 =	sadd.s32 $0x1, s18  }
0x9e: {  	p0 =	sne.s32 s18, $0x10  }
.Ltmp4:
0x9f: {  	_ = 	snop;
	(pc) =	sbr.rel @p0 .LBB2_2-.Ltmp4, $1  }
0xa0: {  	_ =	sdelay $0x3  }
0xa1: {  	s17 =	sadd.s32 $0x1, s17  }
0xa2: {  	p0 =	sne.s32 s17, s9  }
.Ltmp5:
0xa3: {  	_ = 	snop;
	(pc) =	sbr.rel @p0 .LBB2_1-.Ltmp5, $4  }
0xa4: {  	[hbm4b:s8+s2] =	stream.linear.scatter [tilespmem:s16], [sflag:$0x3], $0x4000, $0x38;
	[tilespmem:$0x1E900] =	vst v63  }
0xa5: {  	_ =	swait.ge [sflag:s10], $0x4000  }
0xa6: {  	[sflag:s10] =	ssyncset.done $0x0  }
0xa7: {  	[sflag:s10] =	ssyncadd.s32 $0xFFFFC000  }
0xa8: {  	_ =	sfence.sel $0x180000  }
0xa9: {  	[bflag:$0x0] =	sbarrier.arrive $0xFFFF  }
0xaa: {  	p0 =	sne.s32 s1, $0x0;
	_ =	strace $0x9000004D  }
0xab: {  	s0 =	sadd.s32 @!p0 $0x100000, s0;
	[bflag:$0x2] =	sbarrier.arrive $0xFFFF  }
0xac: {  	[sflag:s0] =	ssyncadd.tile.s32 @!p0 $0x1;
	_ =	shalt  }
.Lfunc_end2:
_tile_overlayer_lowered:
.L_overlay_start_2:
0xad: {  	(tag) =	ssettag $0x2  }
0xae: {  	s0 =	rddreg [dreg:$0x0];
	s2 =	stileid.u32  }
0xaf: {  	s1 =	rddreg [dreg:$0x1];
	p0 =	sne.s32 s2, $0x0  }
0xb0: {  	s3 =	rddreg [dreg:$0x2];
	[bflag:$0x3] =	sbarrier.arrive $0xFFFF;
	s2 =	simm.s32 @!p0 $0x1C03  }
0xb1: {  	[timem:s3], [sflag:s2] =	dma.local @!p0 [hbm:s0], s1  }
0xb2: {  	s0 =	simm.s32 @!p0 $0x3  }
0xb3: {  	_ =	swait.ge @!p0 [sflag:s0], s1  }
0xb4: {  	s1 =	ssub.s32 @!p0 $0x0, s1;
	[sflag:s0] =	ssyncset.done @!p0 $0x0  }
0xb5: {  	[sflag:s0] =	ssyncadd.s32 @!p0 s1  }
0xb6: {  	[bflag:$0x3] =	sbarrier.arrive $0xFFFF  }
0xb7: {  	_ =	shalt  }

// kernel: sparse-core-data-format-call.1.cloned.1.call-start
scs
called_computation.1_lowered:
.L_overlay_start_0:
0x0: {  	s1 =	sld [smem:$0x3FD9]  }
0x1: {  	s2 =	sld [smem:$0x3FFE];
	_ =	sdelay $0x1  }
0x2: {  	s3 =	srdreg.scid  }
0x3: {  	s0 =	sand.u32 $0x1, s3  }
0x4: {  	s17 =	sshll.u32 s0, $0xA;
	s1 =	sadd.s32 s2, s1  }
0x5: {  	s1 =	sadd.s32 s1, s17  }
0x6: {  	[smem:$0x3FC2] =	sst s1  }
0x7: {  	_ = 	snop  }
0x8: {  	(tm) =	ssettm $0x1  }
0x9: {  	s18 =	sld [smem:$0x3FFB];
	_ =	sdelay $0x3  }
0xa: {  	_ =	strace s18  }
0xb: {  	s1 =	sld [smem:$0x3FFC];
	_ =	sdelay $0x3  }
0xc: {  	_ =	strace s1  }
0xd: {  	s1 =	sld [smem:$0x3FFD];
	_ =	sdelay $0x3  }
0xe: {  	_ =	strace s1  }
0xf: {  	_ =	strace $0x8FFFFFFF  }
0x10: {  	s19 =	sld [smem:$0x3FDB];
	_ =	sdelay $0x1  }
0x11: {  	s20 =	simm.s32 $_scs_section_size  }
0x12: {  	s4 =	simm.s32 $_size__tile_overlayer_lowered;
	s5 =	simm.s32 $_tile_overlayer_lowered  }
0x13: {  	s23 =	simm.s32 $0x1BFF;
	s22 =	sshll.u32 s5, $0x1;
	s1 =	sadd.s32 s20, s19  }
0x14: {  	s6 =	simm.s32 $0x0;
	s21 =	sshll.u32 s4, $0x1;
	s4 =	sadd.s32 s22, s1  }
0x15: {  	[timem:s6], [sflag:s23] =	dma.local [hbm:s4], s21  }
0x16: {  	_ =	swait.ge [sflag:s23], s21  }
0x17: {  	s2 =	ssub.s32 $0x0, s21;
	[sflag:s23] =	ssyncset.done $0x0  }
0x18: {  	[sflag:s23] =	ssyncadd.s32 s2;
	_ =	sdelay $0x1  }
0x19: {  	s24 =	simm.s32 $0x1B8B  }
0x1a: {  	_ =	swait.ge [sflag:s24], $0x1  }
0x1b: {  	[sflag:s24] =	ssyncset.done $0x0  }
0x1c: {  	s26 =	simm.s32 $0x1B8E;
	s25 =	sld [smem:$0x3FFE];
	[sflag:s24] =	ssyncadd.s32 $0xFFFFFFFF  }
0x1d: {  	s27 =	simm.s32 $execute0_lowered;
	[smem:$0x3FD2] =	sst s26  }
0x1e: {  	s4 =	sshll.u32 s27, $0x1;
	_ =	strace $0x80000046;
	[dreg:$0x1] =	wrdreg $0xFFFFFFFF  }
0x1f: {  	s28 =	simm.s32 $_size_execute0_lowered;
	s1 =	sadd.s32 s1, s4;
	[dreg:$0x0] =	wrdreg $0x0  }
0x20: {  	s4 =	sshll.u32 s28, $0x1;
	[dreg:$0x2] =	wrdreg s1  }
0x21: {  	[dreg:$0x3] =	wrdreg s4  }
0x22: {  	[dreg:$0x4] =	wrdreg $0xC0  }
0x23: {  	_ =	task [dreg:s6], $0x5FFFF  }
0x24: {  	[dreg:$0x1] =	wrdreg $0xFFFFFFFF  }
0x25: {  	[dreg:$0x0] =	wrdreg $0x60  }
0x26: {  	[dreg:$0x2] =	wrdreg s25  }
0x27: {  	[dreg:$0x3] =	wrdreg $0x9  }
0x28: {  	_ =	task.clear_ibuf [dreg:s6], $0x4FFFF;
	_ =	strace $0x90000046  }
0x29: {  	s29 =	simm.s32 $0x9;
	_ =	strace $0x80000048  }
0x2a: {  	_ =	swait.ge [sflag:s29], $0x1  }
0x2b: {  	[sflag:s29] =	ssyncadd.s32 $0xFFFFFFFF  }
0x2c: {  	_ =	strace $0x90000048  }
0x2d: {  	_ =	sfence  }
0x2e: {  	s30 =	sld [smem:$0x0];
	_ =	sdelay $0x2  }
0x2f: {  	s31 =	sshll.u32 s3, $0xD;
	s3 =	sshrl.u32 s3, $0x2  }
0x30: {  	s2 =	sand.u32 $0x4000, s31;
	s1 =	sadd.s32 s3, s30  }
0x31: {  	s0 =	sor.u32 s2, s0;
	s1 =	sshll.u32 s1, $0x11  }
0x32: {  	s0 =	sor.u32 s1, s0  }
0x33: {  	s0 =	sadd.s32 $0x8F2B, s0  }
0x34: {  	[sflag:s0] =	ssyncadd.remote.s32 $0x1  }
0x35: {  	_ =	sfence.sel $0xFFFF  }
0x36: {  	[dreg:$0x0] =	wrdreg $0xFFFFFFFF;
	(pc) =	sbr.abs _section_cstart, $3  }
0x37: {  	[dreg:$0x1] =	wrdreg $0xFFFFFFFF  }
0x38: {  	_ =	task.clear_ibuf [dreg:s6], $0x2FFFF;
	_ =	strace $0x9FFFFFFF  }
0x39: {  	(tm) =	ssettm $0x7FFFFFFF  }
tec
execute0_lowered:
.L_overlay_start_1:
0x0: {  	(tag) =	ssettag $0x1  }
0x1: {  	s0 =	srdreg.scid  }
0x2: {  	s5 =	rddreg [dreg:$0x0];
	s1 =	stileid.u32;
	s4 =	simm.s32 $0x1  }
0x3: {  	s6 =	simm.s32 $0x2;
	s15 =	simm.s32 $0x0;
	p0 =	por $0x0, $0x0  }
0x4: {  	s8 =	simm.s32 $0x80;
	s14 =	simm.s32 $0x0;
	s2 =	sshll.u32 s0, $0x4  }
0x5: {  	s9 =	simm.s32 $0x0;
	s10 =	simm.s32 $0x0;
	s2 =	sand.u32 $0x10, s2  }
.Ltmp0:
0x6: {  	s12 =	simm.s32 $0x0;
	s3 =	sor.u32 s1, s2;
	(pc) =	sbr.rel .LBB1_1-.Ltmp0, $4  }
0x7: {  	s0 =	rddreg [dreg:$0x1];
	_ =	strace $0x80000047;
	s3 =	sshll.u32 s3, $0x7  }
0x8: {  	s13 =	simm.s32 $0x0;
	[sflag:s4] =	ssyncpa.u1 $0x0;
	s7 =	ssub.s32 $0xF4200, s3  }
0x9: {  	s2 =	sadd.s32 $0x1400, s5;
	[sflag:s6] =	ssyncpa.u1 $0x0;
	s6 =	sshrl.u32 s7, $0xC  }
0xa: {  	s5 =	sadd.s32 $0x1E9A00, s5;
	s11 =	smov.u32 s3;
	s7 =	sadd.s32 $0x2, s6  }
.LBB1_5:
0xb: {  	p1 =	slt.u32 s13, $0x2  }
0xc: {  	s17 =	smov.u32 s15;
	p2 =	sgt.s32 @!p1 s15, $0xF41C0;
	s16 =	sshra.s32 @!p1 s15, $0x1F  }
0xd: {  	p3 =	sgt.s32 @!p1 s14, $0x60;
	s18 =	sshra.s32 @!p1 s14, $0x1F;
	p2 =	por !p2, p1  }
0xe: {  	s15 =	sand.u32 @!p1 s16, s15;
	p3 =	por !p3, p1;
	s16 =	smov.u32 s14  }
0xf: {  	s14 =	sand.u32 @!p1 s18, s14;
	s17 =	simm.s32 @p2 $0xF41C0;
	s16 =	simm.s32 @p3 $0x60  }
0x10: {  	s15 =	ssub.s32 @!p1 s17, s15;
	s14 =	ssub.s32 @!p1 s16, s14  }
0x11: {  	s18 =	smov.u32 s12;
	s16 =	sadd.s32 @!p1 $0xFFF0BE40, s15;
	s17 =	sadd.s32 @!p1 $0xFFFFFFA0, s14  }
0x12: {  	s15 =	ssub.s32 @!p1 $0xF4240, s15;
	p2 =	sgt.s32 @!p1 s16, $0x7F;
	p3 =	sgt.s32 @!p1 s17, $0x1F  }
0x13: {  	s14 =	ssub.s32 @!p1 $0x80, s14;
	p2 =	por !p2, p1;
	p3 =	por !p3, p1  }
0x14: {  	s16 =	sadd.s32 $0x1000, s11;
	s15 =	simm.s32 @!p2 $0x0;
	s14 =	simm.s32 @!p3 $0x0  }
0x15: {  	p2 =	sgt.s32 s16, $0xF423F;
	s14 =	smul.u32 @!p1 s14, s15;
	s15 =	sadd.s32 $0x20, s12  }
0x16: {  	s18 =	smov.u32 @p2 s15  }
0x17: {  	s16 =	smov.u32 @p2 s3;
	p2 =	sgt.s32 s18, $0x1F  }
0x18: {  	p0 =	por !p0, !p0;
	s18 =	simm.s32 @p2 $0x0;
	p2 =	sne.s32 s13, s7  }
.Ltmp1:
0x19: {  	s17 =	simm.s32 @!p1 $0x2;
	s14 =	sshrl.u32 @!p1 s14, $0x1;
	(pc) =	sbr.rel @!p2 .LBB1_6-.Ltmp1, $4  }
0x1a: {  	s15 =	smov.u32 s9;
	s9 =	smov.u32 s11;
	s14 =	sand.u32 @!p1 $0x3FFFFFFF, s14  }
0x1b: {  	s11 =	smov.u32 s16;
	s13 =	sadd.s32 $0x1, s13;
	_ =	swait.ge @!p1 [sflag:s17], s14  }
0x1c: {  	s19 =	ssub.s32 @!p1 $0x0, s14;
	s14 =	smov.u32 s10;
	[sflag:s17] =	ssyncset.done @!p1 $0x0  }
0x1d: {  	s10 =	smov.u32 s12;
	s12 =	smov.u32 s18;
	[sflag:s17] =	ssyncadd.s32 @!p1 s19  }
.LBB1_1:
0x1e: {  	p1 =	sgt.u32 s13, s6  }
0x1f: {  	s16 =	sshrl.u32 @!p1 s12, $0x3  }
0x20: {  	s17 =	sshll.u32 @!p1 s11, $0x3;
	s16 =	smul.u32 @!p1 $0x7A1400, s16  }
0x21: {  	s18 =	sshll.u32 @!p1 s12, $0x7;
	s17 =	sand.u32 @!p1 $0xFFFFFC00, s17  }
0x22: {  	s16 =	sadd.s32 @!p1 s16, s17;
	s17 =	sand.u32 @!p1 $0x300, s18;
	s18 =	sshll.u32 @!p1 s11, $0x1  }
0x23: {  	s16 =	sor.u32 @!p1 s17, s16;
	s17 =	sand.u32 @!p1 $0xFE, s18  }
0x24: {  	s18 =	sand.u32 @!p1 $0x1, s12;
	s16 =	sor.u32 @!p1 s17, s16  }
0x25: {  	s17 =	sor.u32 @!p1 s18, s16  }
0x26: {  	s18 =	smulhi.u32 @!p1 $0x218D6287, s17;
	_ =	sdelay $0x1  }
0x27: {  	s16 =	smulhi.u32 @!p1 $0x218D6287, s16;
	s18 =	sshrl.u32 @!p1 s18, $0x11  }
0x28: {  	s18 =	smul.u32 @!p1 $0xF4280, s18  }
0x29: {  	s16 =	sshrl.u32 @!p1 s16, $0x11  }
0x2a: {  	s16 =	sand.u32 @!p1 $0x1F, s16;
	s17 =	ssub.s32 @!p1 s17, s18  }
0x2b: {  	s16 =	smul.u32 @!p1 $0xF428, s16;
	s18 =	sshrl.u32 @!p1 s17, $0x4  }
0x2c: {  	s19 =	sxor.u32 @!p1 $0xFFFFFFFF, s13;
	s17 =	sshll.u32 @!p1 s17, $0x11;
	s18 =	sadd.s32 @!p1 s2, s18  }
0x2d: {  	s17 =	sand.u32 @!p1 $0x1C0000, s17;
	s16 =	sadd.s32 @!p1 s16, s18;
	s18 =	sshll.u32 @!p1 s19, $0xB  }
0x2e: {  	s17 =	sor.u32 @!p1 $0x200, s17;
	s19 =	simm.s32 @!p1 $0x3D0A00;
	s18 =	sand.u32 @!p1 $0x800, s18  }
0x2f: {  	[tilespmem:s18], [sflag:$0x1] =	stream.strided.gather @!p1 [hbm4b:s16+s17], $0x800, s19, s17, $0x38;
	[tilespmem:$0x2080] =	vst v63  }
0x30: {  	p1 =	seq.s32 s13, $0x0  }
0x31: {  	p2 =	sge.u32 @!p1 s13, s7  }
0x32: {  	p1 =	por p1, p2  }
.Ltmp2:
0x33: {  	_ = 	snop;
	(pc) =	sbr.rel @p1 .LBB1_5-.Ltmp2, $1  }
0x34: {  	_ =	sdelay $0x3  }
0x35: {  	s16 =	simm.s32 $0x1  }
0x36: {  	_ =	swait.ge [sflag:s4], $0x800;
	s16 =	simm.s32 @!p0 $0x0  }
0x37: {  	[sflag:s4] =	ssyncset.done $0x0;
	s16 =	sshll.u32 s16, $0xB  }
0x38: {  	[sflag:s4] =	ssyncadd.s32 $0xFFFFF800;
	s16 =	sor.u32 $0x40, s16  }
0x39: {  	v0 =	vld [tilespmem:s16+$0x20]  }
0x3a: {  	v1 =	vld [tilespmem:s16+$0x30]  }
0x3b: {  	v2 =	vld [tilespmem:s16+$0xFFFFFFD0]  }
0x3c: {  	v5 =	vld [tilespmem:s16+$0x0]  }
0x3d: {  	v6 =	vld [tilespmem:s16+$0x10]  }
0x3e: {  	s17 =	sand.u32 $0x1, s13;
	v3 =	vld [tilespmem:s16+$0xFFFFFFE0]  }
0x3f: {  	s17 =	smul.u32 $0x2100, s17;
	v4 =	vld [tilespmem:s16+$0xFFFFFFF0]  }
0x40: {  	s18 =	simm.s32 $0x0;
	v1 =	vperm.xlane.i2c.b16 v1  }
0x41: {  	s19 =	sand.u32 $0x1C, s18;
	s17 =	sshrl.u32 s17, $0x2;
	v8 =	vld [tilespmem:s16+$0xFFFFFFC0];
	s20 =	sadd.s32 $0x80, s16;
	v7 =	vperm.xlane.i2c.b16 v0;
	v0 =	vperm.xlane.i2c.b16 v2  }
0x42: {  	s30 =	sand.u32 $0x20, s18;
	s31 =	sshrl.u32 s19, $0x1;
	s16 =	sor.u32 $0x1000, s17;
	v11 =	vld [tilespmem:s20+$0x30];
	v10 =	vperm.xlane.i2c.b16 v5;
	v13 =	vperm.xlane.i2c.b16 v6  }
0x43: {  	s17 =	sshrl.u32 s30, $0x1;
	s18 =	sadd.s32 s31, s16;
	v2 =	vld [tilespmem:s20+$0x20];
	v3 =	vperm.xlane.i2c.b16 v3;
	v9 =	vcombine.low v7, v1  }
0x44: {  	v12 =	vld [tilespmem:s20+$0xFFFFFFD0];
	s17 =	sadd.s32 s17, s18;
	v4 =	vperm.xlane.i2c.b16 v4;
	v14 =	vcombine.low v10, v13  }
0x45: {  	v1 =	vcombine.high v7, v1;
	v7 =	vld [tilespmem:s20+$0xFFFFFFE0];
	[tilespmem:s17+$0x630 ss:$0x21] =	vst.msk $0xffff, v9  }
0x46: {  	v6 =	vld [tilespmem:s20+$0xFFFFFFF0];
	v5 =	vperm.xlane.i2c.b16 v8;
	v9 =	vcombine.low v3, v4;
	[tilespmem:s17+$0x420 ss:$0x21] =	vst.msk $0xffff, v14  }
0x47: {  	s18 =	simm.s32 $0x4;
	v8 =	vperm.xlane.i2c.b16 v11;
	[tilespmem:s17+$0x631 ss:$0x21] =	vst.msk $0xffff, v1;
	v1 =	vcombine.high v3, v4;
	v4 =	vld [tilespmem:s20+$0x0]  }
0x48: {  	s19 =	simm.s32 $0x2;
	s22 =	sand.u32 $0x1C, s18;
	v10 =	vcombine.high v10, v13;
	v3 =	vld [tilespmem:s20+$0x10];
	[tilespmem:s17+$0x210 ss:$0x21] =	vst.msk $0xffff, v9;
	v9 =	vperm.xlane.i2c.b16 v2  }
0x49: {  	s21 =	sand.u32 $0x20, s18;
	s22 =	sshrl.u32 s22, $0x1;
	v11 =	vcombine.low v5, v0;
	v2 =	vld [tilespmem:s20+$0xFFFFFFC0];
	s20 =	sadd.s32 $0x80, s20;
	[tilespmem:s17+$0x211 ss:$0x21] =	vst.msk $0xffff, v1;
	v1 =	vperm.xlane.i2c.b16 v12  }
.LBB1_3:
0x4a: {  	v12 =	vld [tilespmem:s20+$0x20];
	s22 =	sadd.s32 s22, s16;
	s21 =	sshrl.u32 s21, $0x1;
	v13 =	vperm.xlane.i2c.b16 v7;
	v7 =	vcombine.low v9, v8;
	[tilespmem:s17+$0x421 ss:$0x21] =	vst.msk $0xffff, v10  }
0x4b: {  	s19 =	sadd.s32 $0x2, s19;
	v14 =	vld [tilespmem:s20+$0x30];
	s21 =	sadd.s32 s21, s22;
	v10 =	vperm.xlane.i2c.b16 v6;
	v6 =	vcombine.high v9, v8;
	[tilespmem:s17+$0x0 ss:$0x21] =	vst.msk $0xffff, v11  }
0x4c: {  	p1 =	slt.u32 s19, $0x1E;
	v11 =	vld [tilespmem:s20+$0xFFFFFFD0];
	v8 =	vperm.xlane.i2c.b16 v4;
	[tilespmem:s21+$0x630 ss:$0x21] =	vst.msk $0xffff, v7;
	v4 =	vcombine.high v5, v0;
	v0 =	vmov v1  }
.Ltmp3:
0x4d: {  	v7 =	vld [tilespmem:s20+$0xFFFFFFE0];
	v1 =	vcombine.low v13, v10;
	v3 =	vperm.xlane.i2c.b16 v3;
	[tilespmem:s21+$0x631 ss:$0x21] =	vst.msk $0xffff, v6;
	(pc) =	sbr.rel @p1 .LBB1_3-.Ltmp3, $4  }
0x4e: {  	v6 =	vld [tilespmem:s20+$0xFFFFFFF0];
	v5 =	vperm.xlane.i2c.b16 v2;
	v2 =	vcombine.high v13, v10;
	[tilespmem:s17+$0x1 ss:$0x21] =	vst.msk $0xffff, v4;
	s17 =	smov.u32 s21  }
0x4f: {  	s18 =	sadd.s32 $0x4, s18;
	v4 =	vld [tilespmem:s20+$0x0];
	[tilespmem:s17+$0x210 ss:$0x21] =	vst.msk $0xffff, v1;
	v13 =	vcombine.low v8, v3;
	v10 =	vcombine.high v8, v3  }
0x50: {  	s22 =	sand.u32 $0x1C, s18;
	v9 =	vperm.xlane.i2c.b16 v12;
	v3 =	vld [tilespmem:s20+$0x10];
	v8 =	vperm.xlane.i2c.b16 v14;
	[tilespmem:s17+$0x211 ss:$0x21] =	vst.msk $0xffff, v2  }
0x51: {  	s22 =	sshrl.u32 s22, $0x1;
	s21 =	sand.u32 $0x20, s18;
	v2 =	vld [tilespmem:s20+$0xFFFFFFC0];
	v1 =	vperm.xlane.i2c.b16 v11;
	s20 =	sadd.s32 $0x80, s20;
	v11 =	vcombine.low v5, v0;
	[tilespmem:s17+$0x420 ss:$0x21] =	vst.msk $0xffff, v13  }
0x52: {  	s18 =	sadd.s32 s22, s16;
	s19 =	sshll.u32 s9, $0x7;
	s20 =	sshll.u32 s10, $0x3  }
0x53: {  	s21 =	sshrl.u32 s21, $0x1;
	s24 =	sshll.u32 s10, $0x1;
	p1 =	sgt.s32 s9, $0xF41C0  }
0x54: {  	s22 =	smov.u32 s9;
	s26 =	sshra.s32 s9, $0x1F;
	s23 =	sand.u32 $0xFFFFFC00, s19  }
0x55: {  	s20 =	sand.u32 $0xFFFFFC00, s20;
	s19 =	sand.u32 $0x300, s19;
	s25 =	sand.u32 $0x80, s24  }
0x56: {  	s18 =	sadd.s32 s21, s18;
	s22 =	simm.s32 @!p1 $0xF41C0;
	p1 =	sgt.s32 s10, $0x60  }
0x57: {  	s21 =	smov.u32 s10;
	s20 =	sadd.s32 s20, s23;
	s23 =	sshra.s32 s10, $0x1F  }
0x58: {  	s21 =	simm.s32 @!p1 $0x60;
	s19 =	sor.u32 s19, s20;
	s20 =	sand.u32 s26, s9  }
0x59: {  	v7 =	vperm.xlane.i2c.b16 v7;
	[tilespmem:s17+$0x421 ss:$0x21] =	vst.msk $0xffff, v10;
	v0 =	vcombine.high v5, v0;
	s23 =	sand.u32 s23, s10;
	s19 =	sor.u32 s25, s19;
	s20 =	ssub.s32 s22, s20  }
0x5a: {  	v57 =	vcombine.low v9, v8;
	v6 =	vperm.xlane.i2c.b16 v6;
	[tilespmem:s17+$0x0 ss:$0x21] =	vst.msk $0xffff, v11;
	s21 =	ssub.s32 s21, s23;
	s19 =	sshrl.u32 s19, $0x7;
	s22 =	sadd.s32 $0xFFF0BE40, s20  }
0x5b: {  	v58 =	vcombine.high v9, v8;
	v4 =	vperm.xlane.i2c.b16 v4;
	[tilespmem:s17+$0x1 ss:$0x21] =	vst.msk $0xffff, v0;
	s23 =	sadd.s32 $0xFFFFFFA0, s21;
	s20 =	ssub.s32 $0xF4240, s20;
	s21 =	ssub.s32 $0x80, s21  }
0x5c: {  	[tilespmem:s18+$0x630 ss:$0x21] =	vst.msk $0xffff, v57;
	v59 =	vcombine.low v7, v6;
	v3 =	vperm.xlane.i2c.b16 v3;
	s27 =	smulhi.u32 $0x218DEF5, s19;
	p1 =	sgt.s32 s22, $0x7F;
	p2 =	sgt.s32 s23, $0x1F  }
0x5d: {  	[tilespmem:s18+$0x631 ss:$0x21] =	vst.msk $0xffff, v58;
	v60 =	vcombine.high v7, v6;
	s20 =	simm.s32 @p1 $0x0;
	s21 =	simm.s32 @p2 $0x0  }
0x5e: {  	v2 =	vperm.xlane.i2c.b16 v2;
	[tilespmem:s18+$0x210 ss:$0x21] =	vst.msk $0xffff, v59;
	v61 =	vcombine.low v4, v3;
	s17 =	sshrl.u32 s27, $0xD;
	s20 =	smul.u32 s21, s20  }
0x5f: {  	v3 =	vcombine.high v4, v3;
	[tilespmem:s18+$0x211 ss:$0x21] =	vst.msk $0xffff, v60;
	s17 =	smul.u32 $0xF4240, s17  }
.Ltmp4:
0x60: {  	s28 =	sshrl.u32 s10, $0x3;
	s29 =	sand.u32 $0x7, s10;
	v62 =	vcombine.low v2, v1;
	[tilespmem:s18+$0x420 ss:$0x21] =	vst.msk $0xffff, v61;
	(pc) =	sbr.rel .LBB1_5-.Ltmp4, $4  }
0x61: {  	v63 =	vcombine.high v2, v1;
	[tilespmem:s18+$0x421 ss:$0x21] =	vst.msk $0xffff, v3;
	s21 =	sshll.u32 s29, $0x12;
	s17 =	ssub.s32 s19, s17;
	s19 =	sand.u32 $0x7, s28  }
0x62: {  	[tilespmem:s18+$0x0 ss:$0x21] =	vst.msk $0xffff, v62;
	s20 =	sshrl.u32 s20, $0x1;
	s17 =	sshll.u32 s17, $0x3;
	s19 =	sadd.s32 s5, s19  }
0x63: {  	[tilespmem:s18+$0x1 ss:$0x21] =	vst.msk $0xffff, v63;
	s31 =	sor.u32 $0x20, s21;
	s30 =	sand.u32 $0x3FFFFFFF, s20;
	s17 =	sadd.s32 s17, s19  }
0x64: {  	[hbm4b:s17+s31] =	stream.strided.scatter [tilespmem:s16], [sflag:$0x2], s30, s8, s31, $0x10;
	[tilespmem:$0x2080] =	vst v63  }
.LBB1_6:
0x65: {  	_ =	sfence.sel $0x180000  }
0x66: {  	s2 =	simm.s32 $0x1;
	[bflag:$0x0] =	sbarrier.arrive $0xFFFF  }
0x67: {  	s31 =	simm.s32 $0x2;
	[sflag:s2] =	ssyncpa.u1 $0x1  }
0x68: {  	[sflag:s31] =	ssyncpa.u1 $0x1  }
0x69: {  	p0 =	sne.s32 s1, $0x0;
	_ =	strace $0x90000047  }
0x6a: {  	s0 =	sadd.s32 @!p0 $0x100000, s0;
	[bflag:$0x2] =	sbarrier.arrive $0xFFFF  }
0x6b: {  	[sflag:s0] =	ssyncadd.tile.s32 @!p0 $0x1;
	_ =	shalt  }
.Lfunc_end1:
_tile_overlayer_lowered:
.L_overlay_start_2:
0x6c: {  	(tag) =	ssettag $0x2  }
0x6d: {  	s0 =	rddreg [dreg:$0x0];
	s2 =	stileid.u32  }
0x6e: {  	s1 =	rddreg [dreg:$0x1];
	p0 =	sne.s32 s2, $0x0  }
0x6f: {  	s3 =	rddreg [dreg:$0x2];
	[bflag:$0x3] =	sbarrier.arrive $0xFFFF;
	s2 =	simm.s32 @!p0 $0x1C01  }
0x70: {  	[timem:s3], [sflag:s2] =	dma.local @!p0 [hbm:s0], s1  }
0x71: {  	s0 =	simm.s32 @!p0 $0x1  }
0x72: {  	_ =	swait.ge @!p0 [sflag:s0], s1  }
0x73: {  	s1 =	ssub.s32 @!p0 $0x0, s1;
	[sflag:s0] =	ssyncset.done @!p0 $0x0  }
0x74: {  	[sflag:s0] =	ssyncadd.s32 @!p0 s1  }
0x75: {  	[bflag:$0x3] =	sbarrier.arrive $0xFFFF  }
0x76: {  	_ =	shalt  }

// kernel: sparse-core-data-format-call.cloned.1.call-start
scs
called_computation_lowered:
.L_overlay_start_0:
0x0: {  	s1 =	sld [smem:$0x3FD9]  }
0x1: {  	s2 =	sld [smem:$0x3FFE];
	_ =	sdelay $0x1  }
0x2: {  	s3 =	srdreg.scid  }
0x3: {  	s0 =	sand.u32 $0x1, s3  }
0x4: {  	s17 =	sshll.u32 s0, $0xA;
	s1 =	sadd.s32 s2, s1  }
0x5: {  	s1 =	sadd.s32 s1, s17  }
0x6: {  	[smem:$0x3FC2] =	sst s1  }
0x7: {  	_ = 	snop  }
0x8: {  	(tm) =	ssettm $0x1  }
0x9: {  	s18 =	sld [smem:$0x3FFB];
	_ =	sdelay $0x3  }
0xa: {  	_ =	strace s18  }
0xb: {  	s1 =	sld [smem:$0x3FFC];
	_ =	sdelay $0x3  }
0xc: {  	_ =	strace s1  }
0xd: {  	s1 =	sld [smem:$0x3FFD];
	_ =	sdelay $0x3  }
0xe: {  	_ =	strace s1  }
0xf: {  	_ =	strace $0x8FFFFFFF  }
0x10: {  	s19 =	sld [smem:$0x3FDB];
	_ =	sdelay $0x1  }
0x11: {  	s20 =	simm.s32 $_scs_section_size  }
0x12: {  	s4 =	simm.s32 $_size__tile_overlayer_lowered;
	s5 =	simm.s32 $_tile_overlayer_lowered  }
0x13: {  	s23 =	simm.s32 $0x1BFF;
	s22 =	sshll.u32 s5, $0x1;
	s1 =	sadd.s32 s20, s19  }
0x14: {  	s6 =	simm.s32 $0x0;
	s21 =	sshll.u32 s4, $0x1;
	s4 =	sadd.s32 s22, s1  }
0x15: {  	[timem:s6], [sflag:s23] =	dma.local [hbm:s4], s21  }
0x16: {  	_ =	swait.ge [sflag:s23], s21  }
0x17: {  	s2 =	ssub.s32 $0x0, s21;
	[sflag:s23] =	ssyncset.done $0x0  }
0x18: {  	[sflag:s23] =	ssyncadd.s32 s2;
	_ =	sdelay $0x1  }
0x19: {  	s24 =	simm.s32 $0x1B8B  }
0x1a: {  	_ =	swait.ge [sflag:s24], $0x1  }
0x1b: {  	[sflag:s24] =	ssyncset.done $0x0  }
0x1c: {  	s26 =	simm.s32 $0x1B8E;
	s25 =	sld [smem:$0x3FFE];
	[sflag:s24] =	ssyncadd.s32 $0xFFFFFFFF  }
0x1d: {  	s27 =	simm.s32 $execute0_lowered;
	[smem:$0x3FD2] =	sst s26  }
0x1e: {  	s4 =	sshll.u32 s27, $0x1;
	_ =	strace $0x80000049;
	[dreg:$0x1] =	wrdreg $0xFFFFFFFF  }
0x1f: {  	s28 =	simm.s32 $_size_execute0_lowered;
	s1 =	sadd.s32 s1, s4;
	[dreg:$0x0] =	wrdreg $0x0  }
0x20: {  	s4 =	sshll.u32 s28, $0x1;
	[dreg:$0x2] =	wrdreg s1  }
0x21: {  	[dreg:$0x3] =	wrdreg s4  }
0x22: {  	[dreg:$0x4] =	wrdreg $0xC0  }
0x23: {  	_ =	task [dreg:s6], $0x5FFFF  }
0x24: {  	[dreg:$0x1] =	wrdreg $0xFFFFFFFF  }
0x25: {  	[dreg:$0x0] =	wrdreg $0x60  }
0x26: {  	[dreg:$0x2] =	wrdreg s25  }
0x27: {  	[dreg:$0x3] =	wrdreg $0x9  }
0x28: {  	_ =	task.clear_ibuf [dreg:s6], $0x4FFFF;
	_ =	strace $0x90000049  }
0x29: {  	s29 =	simm.s32 $0x9;
	_ =	strace $0x8000004B  }
0x2a: {  	_ =	swait.ge [sflag:s29], $0x1  }
0x2b: {  	[sflag:s29] =	ssyncadd.s32 $0xFFFFFFFF  }
0x2c: {  	_ =	strace $0x9000004B  }
0x2d: {  	_ =	sfence  }
0x2e: {  	s30 =	sld [smem:$0x0];
	_ =	sdelay $0x2  }
0x2f: {  	s31 =	sshll.u32 s3, $0xD;
	s3 =	sshrl.u32 s3, $0x2  }
0x30: {  	s2 =	sand.u32 $0x4000, s31;
	s1 =	sadd.s32 s3, s30  }
0x31: {  	s0 =	sor.u32 s2, s0;
	s1 =	sshll.u32 s1, $0x11  }
0x32: {  	s0 =	sor.u32 s1, s0  }
0x33: {  	s0 =	sadd.s32 $0x8F2B, s0  }
0x34: {  	[sflag:s0] =	ssyncadd.remote.s32 $0x1  }
0x35: {  	_ =	sfence.sel $0xFFFF  }
0x36: {  	[dreg:$0x0] =	wrdreg $0xFFFFFFFF;
	(pc) =	sbr.abs _section_cstart, $3  }
0x37: {  	[dreg:$0x1] =	wrdreg $0xFFFFFFFF  }
0x38: {  	_ =	task.clear_ibuf [dreg:s6], $0x2FFFF;
	_ =	strace $0x9FFFFFFF  }
0x39: {  	(tm) =	ssettm $0x7FFFFFFF  }
tec
execute0_lowered:
.L_overlay_start_1:
0x0: {  	(tag) =	ssettag $0x1  }
0x1: {  	s0 =	srdreg.scid  }
0x2: {  	s5 =	rddreg [dreg:$0x0];
	s1 =	stileid.u32;
	s4 =	simm.s32 $0x1  }
0x3: {  	s6 =	simm.s32 $0x2;
	s8 =	simm.s32 $0x0;
	s2 =	sshll.u32 s0, $0x4  }
0x4: {  	s9 =	simm.s32 $0x0;
	s13 =	simm.s32 $0x0;
	s2 =	sand.u32 $0x10, s2  }
.Ltmp0:
0x5: {  	s10 =	simm.s32 $0x0;
	s3 =	sor.u32 s1, s2;
	(pc) =	sbr.rel .LBB1_1-.Ltmp0, $4  }
0x6: {  	s0 =	rddreg [dreg:$0x1];
	_ =	strace $0x8000004A;
	s3 =	sshll.u32 s3, $0x4  }
0x7: {  	s12 =	simm.s32 $0x0;
	[sflag:s4] =	ssyncpa.u1 $0x0;
	s7 =	ssub.s32 $0x3D00, s3  }
0x8: {  	s2 =	sadd.s32 $0x1E9A00, s5;
	[sflag:s6] =	ssyncpa.u1 $0x0;
	s6 =	sshrl.u32 s7, $0x9  }
0x9: {  	s5 =	sadd.s32 $0x1400, s5;
	s11 =	smov.u32 s3;
	s7 =	sadd.s32 $0x2, s6  }
.LBB1_7:
0xa: {  	s15 =	sshll.u32 s12, $0xF  }
0xb: {  	s15 =	sand.u32 $0x8000, s15  }
0xc: {  	s16 =	sshll.u32 s10, $0x7;
	s15 =	sshrl.u32 s15, $0x1  }
0xd: {  	s16 =	sadd.s32 s5, s16;
	s15 =	sor.u32 $0x8000, s15  }
0xe: {  	[hbm4b:s16+s8] =	stream.linear.scatter [tilespmem:s15], [sflag:$0x2], s14, $0x38;
	[tilespmem:$0x10000] =	vst v63  }
.LBB1_8:
0xf: {  	p0 =	slt.u32 s12, $0x2  }
0x10: {  	p1 =	sgt.s32 @!p0 s13, $0x3CF9  }
0x11: {  	s14 =	smov.u32 s13;
	s15 =	sshra.s32 @!p0 s13, $0x1F;
	p1 =	por !p1, p0  }
0x12: {  	s13 =	sand.u32 @!p0 s15, s13;
	s14 =	simm.s32 @p1 $0x3CF9  }
0x13: {  	s13 =	ssub.s32 @!p0 s14, s13  }
0x14: {  	s13 =	sadd.s32 @!p0 $0xFFFFC307, s13  }
0x15: {  	s14 =	sshll.u32 @!p0 s13, $0xC  }
0x16: {  	p1 =	sgt.s32 @!p0 s13, $0xF;
	s13 =	ssub.s32 @!p0 $0x10000, s14  }
0x17: {  	s15 =	sadd.s32 $0x200, s11;
	p1 =	por !p1, p0;
	s13 =	sshrl.u32 @!p0 s13, $0x2  }
0x18: {  	s13 =	simm.s32 @!p1 $0x0;
	p1 =	sgt.s32 s15, $0x3D08  }
0x19: {  	s15 =	smov.u32 @p1 s3;
	p1 =	sne.s32 s12, s7  }
.Ltmp1:
0x1a: {  	_ = 	snop;
	(pc) =	sbr.rel @!p1 .LBB1_9-.Ltmp1, $4  }
0x1b: {  	s14 =	simm.s32 @!p0 $0x2  }
0x1c: {  	s9 =	sadd.s32 $0x8000, s9;
	_ =	swait.ge @!p0 [sflag:s14], s13;
	s16 =	ssub.s32 @!p0 $0x0, s13  }
0x1d: {  	s13 =	smov.u32 s10;
	s12 =	sadd.s32 $0x1, s12;
	[sflag:s14] =	ssyncset.done @!p0 $0x0  }
0x1e: {  	s10 =	smov.u32 s11;
	s11 =	smov.u32 s15;
	[sflag:s14] =	ssyncadd.s32 @!p0 s16  }
.LBB1_1:
0x1f: {  	p0 =	sgt.u32 s12, s6  }
0x20: {  	p1 =	sgt.s32 @!p0 s11, $0x3CF9  }
0x21: {  	s14 =	smov.u32 s11;
	s15 =	sshra.s32 @!p0 s11, $0x1F;
	p1 =	por !p1, p0  }
0x22: {  	s15 =	sand.u32 @!p0 s15, s11;
	s14 =	simm.s32 @p1 $0x3CF9  }
0x23: {  	s14 =	ssub.s32 @!p0 s14, s15  }
0x24: {  	s14 =	sadd.s32 @!p0 $0xFFFFC307, s14  }
0x25: {  	s16 =	sshll.u32 @!p0 s11, $0x7;
	s17 =	simm.s32 @!p0 $0x0;
	s15 =	sshll.u32 @!p0 s14, $0xC  }
0x26: {  	p1 =	sgt.s32 @!p0 s14, $0xF;
	s14 =	ssub.s32 @!p0 $0x10000, s15;
	s15 =	sxor.u32 @!p0 $0xFFFFFFFF, s12  }
0x27: {  	p1 =	por !p1, p0;
	s14 =	sshrl.u32 @!p0 s14, $0x2;
	s15 =	sshll.u32 @!p0 s15, $0xE  }
0x28: {  	s16 =	sadd.s32 @!p0 s2, s16;
	s14 =	simm.s32 @!p1 $0x0;
	s15 =	sand.u32 @!p0 $0x4000, s15  }
0x29: {  	[tilespmem:s15], [sflag:$0x1] =	stream.linear.gather @!p0 [hbm4b:s16+s17], s14, $0x38;
	[tilespmem:$0x10000] =	vst v63  }
0x2a: {  	p0 =	seq.s32 s12, $0x0  }
0x2b: {  	p1 =	sge.u32 @!p0 s12, s7  }
0x2c: {  	p0 =	por p0, p1  }
.Ltmp2:
0x2d: {  	_ = 	snop;
	(pc) =	sbr.rel @p0 .LBB1_8-.Ltmp2, $1  }
0x2e: {  	_ =	sdelay $0x3  }
0x2f: {  	p0 =	sgt.s32 s10, $0x3CF9;
	s14 =	smov.u32 s10;
	s15 =	sshra.s32 s10, $0x1F  }
0x30: {  	s14 =	simm.s32 @!p0 $0x3CF9;
	s15 =	sand.u32 s15, s10  }
0x31: {  	s14 =	ssub.s32 s14, s15  }
0x32: {  	s16 =	sadd.s32 $0x10, s10;
	s14 =	sadd.s32 $0xFFFFC307, s14  }
0x33: {  	p1 =	slt.s32 s16, $0x3D09;
	s30 =	sshll.u32 s14, $0xC  }
0x34: {  	s16 =	simm.s32 @!p1 $0x3D09;
	s15 =	ssub.s32 $0x10000, s30  }
0x35: {  	p0 =	sgt.s32 s14, $0xF;
	s14 =	sshrl.u32 s15, $0x2;
	s15 =	ssub.s32 s16, s10  }
0x36: {  	s14 =	simm.s32 @p0 $0x0;
	p0 =	slt.s32 s15, $0x1  }
.Ltmp3:
0x37: {  	_ = 	snop;
	(pc) =	sbr.rel @p0 .LBB1_7-.Ltmp3, $4  }
0x38: {  	_ = 	snop  }
0x39: {  	_ =	swait.ge [sflag:s4], s14  }
0x3a: {  	s31 =	ssub.s32 $0x0, s14;
	[sflag:s4] =	ssyncset.done $0x0  }
0x3b: {  	[sflag:s4] =	ssyncadd.s32 s31  }
0x3c: {  	s16 =	sshrl.u32 s9, $0x1  }
0x3d: {  	s17 =	sand.u32 $0x4000, s16  }
0x3e: {  	s18 =	simm.s32 $0x0;
	s16 =	sor.u32 $0x200, s17;
	s17 =	sor.u32 $0x8080, s17  }
.LBB1_4:
0x3f: {  	v0 =	vld [tilespmem:s16+$0xFFFFFE70]  }
0x40: {  	v1 =	vld [tilespmem:s16+$0x70]  }
0x41: {  	v2 =	vld [tilespmem:s16+$0x0]  }
0x42: {  	v3 =	vld [tilespmem:s16+$0xFFFFFE10]  }
0x43: {  	v4 =	vld [tilespmem:s16+$0x10]  }
0x44: {  	v5 =	vld [tilespmem:s16+$0xFFFFFE20]  }
0x45: {  	v7 =	vld [tilespmem:s16+$0x20]  }
0x46: {  	v11 =	vld [tilespmem:s16+$0x30];
	v6 =	vunpack.i.l.s16.s32 v0;
	v8 =	vunpack.i.u.s16.s32 v0;
	v9 =	vunpack.i.u.s16.s32 v1  }
0x47: {  	v10 =	vunpack.i.l.s16.s32 v1;
	v0 =	vunpack.i.u.s16.s32 v2;
	v1 =	vunpack.i.l.s16.s32 v2;
	v2 =	vld [tilespmem:s16+$0xFFFFFE30]  }
0x48: {  	v8 =	vpack.i.b32.b16 v9, v8;
	v9 =	vunpack.i.u.s16.s32 v3;
	v3 =	vunpack.i.l.s16.s32 v3  }
0x49: {  	v12 =	vld [tilespmem:s16+$0xFFFFFE40];
	v6 =	vpack.i.b32.b16 v10, v6;
	[tilespmem:s17+$0x70] =	vst v8;
	v8 =	vunpack.i.u.s16.s32 v4;
	v4 =	vunpack.i.l.s16.s32 v4  }
0x4a: {  	v13 =	vld [tilespmem:s16+$0x40];
	v10 =	vunpack.i.u.s16.s32 v5;
	v5 =	vunpack.i.l.s16.s32 v5;
	[tilespmem:s17+$0xFFFFFFF0] =	vst v6;
	v3 =	vpack.i.b32.b16 v4, v3  }
0x4b: {  	v6 =	vunpack.i.l.s16.s32 v7;
	v4 =	vld [tilespmem:s16+$0xFFFFFE50];
	[tilespmem:s17+$0xFFFFFF90] =	vst v3;
	v3 =	vpack.i.b32.b16 v8, v9;
	v8 =	vunpack.i.u.s16.s32 v7  }
0x4c: {  	v7 =	vunpack.i.l.s16.s32 v11;
	[tilespmem:s17+$0x10] =	vst v3;
	v3 =	vpack.i.b32.b16 v6, v5;
	v9 =	vunpack.i.u.s16.s32 v2;
	v6 =	vld [tilespmem:s16+$0x50]  }
0x4d: {  	v5 =	vunpack.i.l.s16.s32 v2;
	v2 =	vld [tilespmem:s16+$0xFFFFFE60];
	[tilespmem:s17+$0xFFFFFFA0] =	vst v3;
	v3 =	vpack.i.b32.b16 v8, v10;
	v10 =	vunpack.i.u.s16.s32 v11  }
0x4e: {  	s21 =	simm.s32 $0x0;
	v11 =	vpack.i.b32.b16 v7, v5;
	v7 =	vunpack.i.u.s16.s32 v12;
	v8 =	vunpack.i.l.s16.s32 v12;
	[tilespmem:s17+$0x20] =	vst v3;
	v3 =	vld [tilespmem:s16+$0x60]  }
0x4f: {  	s22 =	sadd.s32 $0x80, s16;
	s20 =	smov.u32 s17;
	s19 =	smov.u32 s17;
	v5 =	vld [tilespmem:s16+$0xFFFFFE00];
	[tilespmem:s17+$0xFFFFFFB0] =	vst v11;
	v10 =	vpack.i.b32.b16 v10, v9;
	v9 =	vunpack.i.u.s16.s32 v13;
	v11 =	vunpack.i.l.s16.s32 v13  }
.LBB1_5:
0x50: {  	v12 =	vld [tilespmem:s22+$0xFFFFFE70];
	[tilespmem:s20+$0x30] =	vst v10;
	v8 =	vpack.i.b32.b16 v11, v8;
	v10 =	vunpack.i.u.s16.s32 v4;
	v4 =	vunpack.i.l.s16.s32 v4  }
0x51: {  	s21 =	sadd.s32 $0x2, s21;
	v7 =	vpack.i.b32.b16 v9, v7;
	v11 =	vld [tilespmem:s22+$0x70];
	[tilespmem:s20+$0xFFFFFFC0] =	vst v8;
	v8 =	vunpack.i.u.s16.s32 v6;
	v6 =	vunpack.i.l.s16.s32 v6  }
0x52: {  	p0 =	slt.u32 s21, $0x6;
	v9 =	vld [tilespmem:s22+$0x0];
	[tilespmem:s20+$0x40] =	vst v7;
	v4 =	vpack.i.b32.b16 v6, v4;
	v6 =	vunpack.i.u.s16.s32 v2;
	v2 =	vunpack.i.l.s16.s32 v2  }
0x53: {  	v7 =	vld [tilespmem:s22+$0xFFFFFE10];
	[tilespmem:s20+$0xFFFFFFD0] =	vst v4;
	v4 =	vpack.i.b32.b16 v8, v10;
	v8 =	vunpack.i.u.s16.s32 v3;
	v3 =	vunpack.i.l.s16.s32 v3  }
0x54: {  	v10 =	vld [tilespmem:s22+$0x10];
	v13 =	vunpack.i.u.s16.s32 v5;
	v5 =	vunpack.i.l.s16.s32 v5;
	[tilespmem:s20+$0x50] =	vst v4;
	v2 =	vpack.i.b32.b16 v3, v2  }
0x55: {  	v3 =	vld [tilespmem:s22+$0xFFFFFE20];
	v4 =	vunpack.i.l.s16.s32 v12;
	v1 =	vpack.i.b32.b16 v1, v5;
	v5 =	vpack.i.b32.b16 v0, v13;
	[tilespmem:s20+$0xFFFFFFE0] =	vst v2  }
0x56: {  	v12 =	vunpack.i.u.s16.s32 v12;
	v2 =	vld [tilespmem:s22+$0x20];
	v13 =	vunpack.i.u.s16.s32 v11;
	v11 =	vunpack.i.l.s16.s32 v11;
	[tilespmem:s20+$0xFFFFFF80] =	vst v1  }
0x57: {  	s20 =	sadd.s32 $0x100, s20;
	v0 =	vunpack.i.u.s16.s32 v9;
	v1 =	vunpack.i.l.s16.s32 v9;
	v9 =	vld [tilespmem:s22+$0xFFFFFE30];
	v12 =	vpack.i.b32.b16 v13, v12;
	[tilespmem:s19+$0x0] =	vst v5  }
0x58: {  	v6 =	vpack.i.b32.b16 v8, v6;
	v5 =	vunpack.i.u.s16.s32 v7;
	v7 =	vunpack.i.l.s16.s32 v7;
	v13 =	vld [tilespmem:s22+$0x30];
	[tilespmem:s20+$0x70] =	vst v12  }
0x59: {  	v4 =	vpack.i.b32.b16 v11, v4;
	v8 =	vunpack.i.u.s16.s32 v10;
	v10 =	vunpack.i.l.s16.s32 v10;
	v12 =	vld [tilespmem:s22+$0xFFFFFE40];
	[tilespmem:s19+$0x60] =	vst v6;
	s19 =	smov.u32 s20  }
0x5a: {  	v6 =	vpack.i.b32.b16 v10, v7;
	v7 =	vunpack.i.u.s16.s32 v3;
	v3 =	vunpack.i.l.s16.s32 v3;
	v11 =	vld [tilespmem:s22+$0x40];
	[tilespmem:s20+$0xFFFFFFF0] =	vst v4  }
.Ltmp4:
0x5b: {  	v5 =	vpack.i.b32.b16 v8, v5;
	[tilespmem:s20+$0xFFFFFF90] =	vst v6;
	v8 =	vunpack.i.u.s16.s32 v2;
	v2 =	vunpack.i.l.s16.s32 v2;
	v4 =	vld [tilespmem:s22+$0xFFFFFE50];
	(pc) =	sbr.rel @p0 .LBB1_5-.Ltmp4, $4  }
0x5c: {  	[tilespmem:s20+$0x10] =	vst v5;
	v2 =	vpack.i.b32.b16 v2, v3;
	v10 =	vunpack.i.u.s16.s32 v9;
	v3 =	vunpack.i.l.s16.s32 v9;
	v6 =	vld [tilespmem:s22+$0x50]  }
0x5d: {  	v5 =	vpack.i.b32.b16 v8, v7;
	[tilespmem:s20+$0xFFFFFFA0] =	vst v2;
	v9 =	vunpack.i.u.s16.s32 v13;
	v7 =	vunpack.i.l.s16.s32 v13;
	v2 =	vld [tilespmem:s22+$0xFFFFFE60]  }
0x5e: {  	[tilespmem:s20+$0x20] =	vst v5;
	v13 =	vpack.i.b32.b16 v7, v3;
	v7 =	vunpack.i.u.s16.s32 v12;
	v8 =	vunpack.i.l.s16.s32 v12;
	v3 =	vld [tilespmem:s22+$0x60]  }
0x5f: {  	v10 =	vpack.i.b32.b16 v9, v10;
	v5 =	vld [tilespmem:s22+$0xFFFFFE00];
	[tilespmem:s20+$0xFFFFFFB0] =	vst v13;
	v9 =	vunpack.i.u.s16.s32 v11;
	v11 =	vunpack.i.l.s16.s32 v11;
	s22 =	sadd.s32 $0x80, s22  }
0x60: {  	[tilespmem:s20+$0x30] =	vst v10;
	v8 =	vpack.i.b32.b16 v11, v8  }
0x61: {  	v51 =	vunpack.i.l.s16.s32 v4;
	v7 =	vpack.i.b32.b16 v9, v7;
	[tilespmem:s20+$0xFFFFFFC0] =	vst v8;
	v52 =	vunpack.i.l.s16.s32 v6  }
0x62: {  	v53 =	vunpack.i.u.s16.s32 v4;
	s18 =	sadd.s32 $0x1, s18;
	v54 =	vunpack.i.u.s16.s32 v6;
	[tilespmem:s20+$0x40] =	vst v7;
	v55 =	vpack.i.b32.b16 v52, v51  }
0x63: {  	p0 =	sne.s32 s18, s15;
	v56 =	vunpack.i.l.s16.s32 v2;
	v4 =	vpack.i.b32.b16 v54, v53;
	[tilespmem:s20+$0xFFFFFFD0] =	vst v55;
	v57 =	vunpack.i.l.s16.s32 v3  }
.Ltmp5:
0x64: {  	[tilespmem:s20+$0x50] =	vst v4;
	v58 =	vunpack.i.l.s16.s32 v5;
	v59 =	vpack.i.b32.b16 v57, v56;
	(pc) =	sbr.rel @p0 .LBB1_4-.Ltmp5, $4  }
.Ltmp6:
0x65: {  	v61 =	vunpack.i.u.s16.s32 v2;
	v62 =	vunpack.i.u.s16.s32 v3;
	v1 =	vpack.i.b32.b16 v1, v58;
	[tilespmem:s20+$0xFFFFFFE0] =	vst v59;
	(pc) =	sbr.rel @!p0 .LBB1_7-.Ltmp6, $4  }
0x66: {  	v60 =	vunpack.i.u.s16.s32 v5;
	v63 =	vpack.i.b32.b16 v62, v61;
	[tilespmem:s20+$0xFFFFFF80] =	vst v1  }
0x67: {  	v0 =	vpack.i.b32.b16 v0, v60;
	[tilespmem:s19+$0x60] =	vst v63  }
0x68: {  	s16 =	sadd.s32 $0x400, s16;
	s17 =	sadd.s32 $0x400, s17;
	[tilespmem:s19+$0x0] =	vst v0  }
0x69: {  	_ = 	snop  }
.LBB1_9:
0x6a: {  	_ =	sfence.sel $0x180000  }
0x6b: {  	s2 =	simm.s32 $0x1;
	[bflag:$0x0] =	sbarrier.arrive $0xFFFF  }
0x6c: {  	s31 =	simm.s32 $0x2;
	[sflag:s2] =	ssyncpa.u1 $0x1  }
0x6d: {  	[sflag:s31] =	ssyncpa.u1 $0x1  }
0x6e: {  	p0 =	sne.s32 s1, $0x0;
	_ =	strace $0x9000004A  }
0x6f: {  	s0 =	sadd.s32 @!p0 $0x100000, s0;
	[bflag:$0x2] =	sbarrier.arrive $0xFFFF  }
0x70: {  	[sflag:s0] =	ssyncadd.tile.s32 @!p0 $0x1;
	_ =	shalt  }
.Lfunc_end1:
_tile_overlayer_lowered:
.L_overlay_start_2:
0x71: {  	(tag) =	ssettag $0x2  }
0x72: {  	s0 =	rddreg [dreg:$0x0];
	s2 =	stileid.u32  }
0x73: {  	s1 =	rddreg [dreg:$0x1];
	p0 =	sne.s32 s2, $0x0  }
0x74: {  	s3 =	rddreg [dreg:$0x2];
	[bflag:$0x3] =	sbarrier.arrive $0xFFFF;
	s2 =	simm.s32 @!p0 $0x1C01  }
0x75: {  	[timem:s3], [sflag:s2] =	dma.local @!p0 [hbm:s0], s1  }
0x76: {  	s0 =	simm.s32 @!p0 $0x1  }
0x77: {  	_ =	swait.ge @!p0 [sflag:s0], s1  }
0x78: {  	s1 =	ssub.s32 @!p0 $0x0, s1;
	[sflag:s0] =	ssyncset.done @!p0 $0x0  }
0x79: {  	[sflag:s0] =	ssyncadd.s32 @!p0 s1  }
0x7a: {  	[bflag:$0x3] =	sbarrier.arrive $0xFFFF  }
0x7b: {  	_ =	shalt  }

</sc_bundles>
